<compile_context>
chip_gen: v7x
topology: tpu7x:2x2x1
jax: 0.10.2.dev20260603
libtpu: 0.0.44.dev20260713+nightly
codegen_flags: <defaults>
</compile_context>

<pallas_src>
import functools
import math

import jax
import jax.numpy as jnp
from jax import lax
from jax.experimental import pallas as pl
from jax.experimental.pallas import tpu as pltpu
from jax.experimental.pallas import tpu_sc as plsc

_VOCAB = 100000
_DIM = 64
_B = 4096
_L = 200
_BASE_FREQ = 1e-05

_NC = 2
_NS = 16
_NW = _NC * _NS
_LT = _L // 8


def _pe_table():

    def body(o_ref):
        col = lax.broadcasted_iota(jnp.int32, (_L, _DIM), 1).astype(jnp.float32)
        row = lax.broadcasted_iota(jnp.int32, (_L, _DIM), 0).astype(jnp.float32)
        mult = jnp.exp(row * (2.0 * math.log(_BASE_FREQ) / (_L - 1)))
        o_ref[...] = jnp.sin(col * mult)

    return pl.pallas_call(
        body, out_shape=jax.ShapeDtypeStruct((_L, _DIM), jnp.float32)
    )()


def _sc_body(x_hbm, w_hbm, pe_hbm, out_hbm, idx_v, pe_v, rows0, rows1,
             tbuf0, tbuf1, sg0, sg1, ss0, ss1):
    wid = lax.axis_index("s") * _NC + lax.axis_index("c")
    bt = wid

    pltpu.sync_copy(x_hbm.at[:, bt], idx_v)
    pltpu.sync_copy(pe_hbm, pe_v)

    base16 = lax.iota(jnp.int32, 16)

    def fire_gather(l, rows, sem):
        pltpu.async_copy(w_hbm.at[idx_v.at[l >> 3, l & 7]], rows, sem)

    def wait_gather(rows, sem):
        pltpu.make_async_copy(w_hbm.at[pl.ds(0, 128), :], rows, sem).wait()

    def fire_store(l, tbuf, sem):
        pltpu.async_copy(tbuf.at[:, :, pl.ds(0, 128)],
                         out_hbm.at[l, :, bt], sem)

    def wait_store(tbuf, sem):
        pltpu.make_async_copy(tbuf.at[:, :, pl.ds(0, 128)],
                              out_hbm.at[0, :, 0], sem).wait()

    ct_j = [(base16 + 16 * j) >> 3 for j in range(4)]
    cs_j = [(base16 + 16 * j) & 7 for j in range(4)]

    def transpose_add(l, rows, tbuf):
        pes = [pe_v[l, pl.ds(16 * j, 16)] for j in range(4)]

        @plsc.parallel_loop(0, 128, unroll=4)
        def rbody(r):
            rv = lax.broadcast_in_dim(r, (16,), ())
            for j in range(4):
                v = rows[r, pl.ds(16 * j, 16)] + pes[j]
                plsc.store_scatter(tbuf, [ct_j[j], cs_j[j], rv], v)

    fire_gather(0, rows0, sg0)

    def outer(t, carry):
        for s, (rows, sg, other_rows, other_sg, tbuf, ss) in enumerate((
                (rows0, sg0, rows1, sg1, tbuf0, ss0),
                (rows1, sg1, rows0, sg0, tbuf1, ss1))):
            l = 2 * t + s

            @pl.when(l + 1 < _L)
            def _():
                fire_gather(l + 1, other_rows, other_sg)

            wait_gather(rows, sg)

            @pl.when(l >= 2)
            def _():
                wait_store(tbuf, ss)

            transpose_add(l, rows, tbuf)
            fire_store(l, tbuf, ss)
        return carry

    lax.fori_loop(0, _L // 2, outer, 0)
    wait_store(tbuf0, ss0)
    wait_store(tbuf1, ss1)


@jax.jit
def kernel(x, W):
    pe = _pe_table()
    x32 = jnp.asarray(x, jnp.int32)
    xr = x32.reshape(_NW, 128, _LT, 8).transpose(2, 0, 3, 1)

    mesh = plsc.VectorSubcoreMesh(core_axis_name="c", subcore_axis_name="s")
    run = pl.kernel(
        _sc_body,
        out_type=jax.ShapeDtypeStruct((_L, _DIM // 8, _NW, 8, 128),
                                      jnp.float32),
        mesh=mesh,
        compiler_params=pltpu.CompilerParams(use_tc_tiling_on_sc=False,
                                             needs_layout_passes=False),
        scratch_types=[
            pltpu.VMEM((_LT, 8, 128), jnp.int32),
            pltpu.VMEM((_L, _DIM), jnp.float32),
            pltpu.VMEM((128, _DIM), jnp.float32),
            pltpu.VMEM((128, _DIM), jnp.float32),
            pltpu.VMEM((_DIM // 8, 8, 129), jnp.float32),
            pltpu.VMEM((_DIM // 8, 8, 129), jnp.float32),
            pltpu.SemaphoreType.DMA,
            pltpu.SemaphoreType.DMA,
            pltpu.SemaphoreType.DMA,
            pltpu.SemaphoreType.DMA,
        ],
    )
    out = run(xr, W, pe)
    return out.transpose(2, 4, 0, 1, 3).reshape(_B, _L, _DIM)

# --- scband reference (transcript-rebuilt; emitter-appended) ---
"""Pipeline reference for scband-encoder-52879637348364 (READ-ONLY COPY).

The authoritative reference and input builder live on the scoring server;
editing this copy changes nothing except your own understanding.
"""

import jax, jax.numpy as jnp
import numpy as np

VOCAB = 100000
DIM = 64
B = 4096
L = 200
BASE_FREQ = 1e-05


def positional_encoding(shape, base_freq=1e-05):
    # shape = (b, l, c); matches torch version:
    # pos = arange(0, c) repeated over (b, l, 1)
    # mult = logspace(0, 2, l, base=base_freq) = base_freq ** linspace(0, 2, l)
    # elements[b, l, c] = pos[b, l, c] * mult[l]; return sin(elements)
    b, l, c = shape
    pos = jnp.broadcast_to(jnp.arange(c, dtype=jnp.float32), (b, l, c))
    mult = (base_freq ** jnp.linspace(0.0, 2.0, l)).astype(jnp.float32)
    elements = pos * mult[None, :, None]
    return jnp.sin(elements)


def setup_inputs(seed: int = 0) -> dict:
    key = jax.random.key(seed)
    k1, k2 = jax.random.split(key)
    x = jax.random.randint(k1, (B, L), 0, VOCAB, dtype=jnp.int64 if jax.config.jax_enable_x64 else jnp.int32)
    W = jax.random.normal(k2, (VOCAB, DIM), dtype=jnp.float32)
    return {"x": x, "W": W}


def reference(x, W):
    # embedding lookup (gather)
    emb = jnp.take(W, x, axis=0)  # [B, L, DIM]
    # positional encoding added
    pe = positional_encoding(emb.shape, BASE_FREQ)
    out = emb + pe
    # dropout p=0.0 -> identity
    return out

if __name__ == "__main__":
    import jax
    _d = setup_inputs()
    print(jax.jit(kernel)(*tuple(_d.values())))

</pallas_src>

<mosaic_0001>
#map = affine_map<(d0, d1) -> (0, 0, 0, 0)>
#map1 = affine_map<(d0, d1) -> (0, 0)>
#map2 = affine_map<(d0, d1) -> (0, 0, 0, 0, 0)>
module attributes {stable_mosaic.version = 14 : i64} {
  func.func @_sc_body(%arg0: i32, %arg1: i32, %arg2: memref<25x32x8x128xi32, #tpu.memory_space<hbm>>, %arg3: memref<100000x64xf32, #tpu.memory_space<hbm>>, %arg4: memref<200x64xf32, #tpu.memory_space<hbm>>, %arg5: memref<200x8x32x8x128xf32, #tpu.memory_space<hbm>>, %arg6: memref<25x8x128xi32, #tpu.memory_space<vmem>>, %arg7: memref<200x64xf32, #tpu.memory_space<vmem>>, %arg8: memref<128x64xf32, #tpu.memory_space<vmem>>, %arg9: memref<128x64xf32, #tpu.memory_space<vmem>>, %arg10: memref<8x8x129xf32, #tpu.memory_space<vmem>>, %arg11: memref<8x8x129xf32, #tpu.memory_space<vmem>>, %arg12: memref<!tpu.dma_semaphore, #tpu.memory_space<semaphore_mem>>, %arg13: memref<!tpu.dma_semaphore, #tpu.memory_space<semaphore_mem>>, %arg14: memref<!tpu.dma_semaphore, #tpu.memory_space<semaphore_mem>>, %arg15: memref<!tpu.dma_semaphore, #tpu.memory_space<semaphore_mem>>) attributes {dimension_semantics = [#tpu.dimension_semantics<core_parallel>, #tpu.dimension_semantics<subcore_parallel>], iteration_bounds = array<i64: 2, 16>, scalar_prefetch = 0 : i64, scratch_operands = 10 : i64, tpu.core_type = #tpu.core_type<sc_vector_subcore>, window_params = [{transform_indices = #map}, {transform_indices = #map1}, {transform_indices = #map1}, {transform_indices = #map2}]} {
    %mul3A = arith.constant 2 : i32
    %mul3A_0 = arith.muli %arg1, %mul3A : i32
    %add3A = arith.addi %mul3A_0, %arg0 : i32
    "tpu.region"() ({
      %run_scoped3A = tpu.sem_alloc : memref<!tpu.dma_semaphore, #tpu.memory_space<semaphore_mem>>
      %dma_start3A_98 = arith.constant 0 : i32
      %dma_start3A_99 = arith.constant 0 : i32
      %dma_start3A_100 = arith.constant 0 : i32
      %dma_start3A_101 = tpu.memref_slice %arg2[%dma_start3A_98, %add3A, %dma_start3A_99, %dma_start3A_100] : memref<25x32x8x128xi32, #tpu.memory_space<hbm>> -> memref<25x1x8x128xi32, #tpu.memory_space<hbm>>
      %dma_start3A_102 = tpu.memref_squeeze %dma_start3A_101 : memref<25x1x8x128xi32, #tpu.memory_space<hbm>> -> memref<25x8x128xi32, #tpu.memory_space<hbm>>
      %dma_start3A_103 = arith.constant 0 : i32
      %dma_start3A_104 = arith.constant 0 : i32
      %dma_start3A_105 = arith.constant 0 : i32
      %dma_start3A_106 = tpu.memref_slice %arg2[%dma_start3A_103, %add3A, %dma_start3A_104, %dma_start3A_105] : memref<25x32x8x128xi32, #tpu.memory_space<hbm>> -> memref<25x1x8x128xi32, #tpu.memory_space<hbm>>
      %dma_start3A_107 = tpu.memref_squeeze %dma_start3A_106 : memref<25x1x8x128xi32, #tpu.memory_space<hbm>> -> memref<25x8x128xi32, #tpu.memory_space<hbm>>
      tpu.enqueue_dma source(%dma_start3A_107 : memref<25x8x128xi32, #tpu.memory_space<hbm>>) target(%arg6 : memref<25x8x128xi32, #tpu.memory_space<vmem>>) target_semaphore(%run_scoped3A : memref<!tpu.dma_semaphore, #tpu.memory_space<semaphore_mem>>)
      %dma_wait3A_108 = arith.constant 0 : i32
      %dma_wait3A_109 = arith.constant 0 : i32
      %dma_wait3A_110 = arith.constant 0 : i32
      %dma_wait3A_111 = tpu.memref_slice %arg2[%dma_wait3A_108, %add3A, %dma_wait3A_109, %dma_wait3A_110] : memref<25x32x8x128xi32, #tpu.memory_space<hbm>> -> memref<25x1x8x128xi32, #tpu.memory_space<hbm>>
      %dma_wait3A_112 = tpu.memref_squeeze %dma_wait3A_111 : memref<25x1x8x128xi32, #tpu.memory_space<hbm>> -> memref<25x8x128xi32, #tpu.memory_space<hbm>>
      %dma_wait3A_113 = arith.constant 0 : i32
      %dma_wait3A_114 = arith.constant 0 : i32
      %dma_wait3A_115 = arith.constant 0 : i32
      %dma_wait3A_116 = tpu.memref_slice %arg2[%dma_wait3A_113, %add3A, %dma_wait3A_114, %dma_wait3A_115] : memref<25x32x8x128xi32, #tpu.memory_space<hbm>> -> memref<25x1x8x128xi32, #tpu.memory_space<hbm>>
      %dma_wait3A_117 = tpu.memref_squeeze %dma_wait3A_116 : memref<25x1x8x128xi32, #tpu.memory_space<hbm>> -> memref<25x8x128xi32, #tpu.memory_space<hbm>>
      tpu.wait_dma2 semaphore(%run_scoped3A : memref<!tpu.dma_semaphore, #tpu.memory_space<semaphore_mem>>) src(%dma_wait3A_117 : memref<25x8x128xi32, #tpu.memory_space<hbm>>) dst(%arg6 : memref<25x8x128xi32, #tpu.memory_space<vmem>>)
      tpu.yield
    }) : () -> ()
    "tpu.region"() ({
      %run_scoped3A = tpu.sem_alloc : memref<!tpu.dma_semaphore, #tpu.memory_space<semaphore_mem>>
      tpu.enqueue_dma source(%arg4 : memref<200x64xf32, #tpu.memory_space<hbm>>) target(%arg7 : memref<200x64xf32, #tpu.memory_space<vmem>>) target_semaphore(%run_scoped3A : memref<!tpu.dma_semaphore, #tpu.memory_space<semaphore_mem>>)
      tpu.wait_dma2 semaphore(%run_scoped3A : memref<!tpu.dma_semaphore, #tpu.memory_space<semaphore_mem>>) src(%arg4 : memref<200x64xf32, #tpu.memory_space<hbm>>) dst(%arg7 : memref<200x64xf32, #tpu.memory_space<vmem>>)
      tpu.yield
    }) : () -> ()
    %iota3A = tpu.iota {dimensions = array<i32: 0>} : vector<16xi32>
    %add3A_1 = arith.constant 0 : i32
    %add3A_2 = vector.broadcast %add3A_1 : i32 to vector<16xi32>
    %add3A_3 = arith.addi %iota3A, %add3A_2 : vector<16xi32>
    %shift_right_arithmetic3A = arith.constant 3 : i32
    %shift_right_arithmetic3A_4 = vector.broadcast %shift_right_arithmetic3A : i32 to vector<16xi32>
    %shift_right_arithmetic3A_5 = arith.shrsi %add3A_3, %shift_right_arithmetic3A_4 : vector<16xi32>
    %add3A_6 = arith.constant 16 : i32
    %add3A_7 = vector.broadcast %add3A_6 : i32 to vector<16xi32>
    %add3A_8 = arith.addi %iota3A, %add3A_7 : vector<16xi32>
    %shift_right_arithmetic3A_9 = arith.constant 3 : i32
    %shift_right_arithmetic3A_10 = vector.broadcast %shift_right_arithmetic3A_9 : i32 to vector<16xi32>
    %shift_right_arithmetic3A_11 = arith.shrsi %add3A_8, %shift_right_arithmetic3A_10 : vector<16xi32>
    %add3A_12 = arith.constant 32 : i32
    %add3A_13 = vector.broadcast %add3A_12 : i32 to vector<16xi32>
    %add3A_14 = arith.addi %iota3A, %add3A_13 : vector<16xi32>
    %shift_right_arithmetic3A_15 = arith.constant 3 : i32
    %shift_right_arithmetic3A_16 = vector.broadcast %shift_right_arithmetic3A_15 : i32 to vector<16xi32>
    %shift_right_arithmetic3A_17 = arith.shrsi %add3A_14, %shift_right_arithmetic3A_16 : vector<16xi32>
    %add3A_18 = arith.constant 48 : i32
    %add3A_19 = vector.broadcast %add3A_18 : i32 to vector<16xi32>
    %add3A_20 = arith.addi %iota3A, %add3A_19 : vector<16xi32>
    %shift_right_arithmetic3A_21 = arith.constant 3 : i32
    %shift_right_arithmetic3A_22 = vector.broadcast %shift_right_arithmetic3A_21 : i32 to vector<16xi32>
    %shift_right_arithmetic3A_23 = arith.shrsi %add3A_20, %shift_right_arithmetic3A_22 : vector<16xi32>
    %add3A_24 = arith.constant 0 : i32
    %add3A_25 = vector.broadcast %add3A_24 : i32 to vector<16xi32>
    %add3A_26 = arith.addi %iota3A, %add3A_25 : vector<16xi32>
    %and3A = arith.constant 7 : i32
    %and3A_27 = vector.broadcast %and3A : i32 to vector<16xi32>
    %and3A_28 = arith.andi %add3A_26, %and3A_27 : vector<16xi32>
    %add3A_29 = arith.constant 16 : i32
    %add3A_30 = vector.broadcast %add3A_29 : i32 to vector<16xi32>
    %add3A_31 = arith.addi %iota3A, %add3A_30 : vector<16xi32>
    %and3A_32 = arith.constant 7 : i32
    %and3A_33 = vector.broadcast %and3A_32 : i32 to vector<16xi32>
    %and3A_34 = arith.andi %add3A_31, %and3A_33 : vector<16xi32>
    %add3A_35 = arith.constant 32 : i32
    %add3A_36 = vector.broadcast %add3A_35 : i32 to vector<16xi32>
    %add3A_37 = arith.addi %iota3A, %add3A_36 : vector<16xi32>
    %and3A_38 = arith.constant 7 : i32
    %and3A_39 = vector.broadcast %and3A_38 : i32 to vector<16xi32>
    %and3A_40 = arith.andi %add3A_37, %and3A_39 : vector<16xi32>
    %add3A_41 = arith.constant 48 : i32
    %add3A_42 = vector.broadcast %add3A_41 : i32 to vector<16xi32>
    %add3A_43 = arith.addi %iota3A, %add3A_42 : vector<16xi32>
    %and3A_44 = arith.constant 7 : i32
    %and3A_45 = vector.broadcast %and3A_44 : i32 to vector<16xi32>
    %and3A_46 = arith.andi %add3A_43, %and3A_45 : vector<16xi32>
    %dma_start3A = arith.constant 0 : i32
    %dma_start3A_47 = arith.constant 0 : i32
    %dma_start3A_48 = arith.constant 0 : i32
    %dma_start3A_49 = tpu.memref_slice %arg6[%dma_start3A, %dma_start3A_47, %dma_start3A_48] : memref<25x8x128xi32, #tpu.memory_space<vmem>> -> memref<1x1x128xi32, #tpu.memory_space<vmem>>
    %dma_start3A_50 = tpu.memref_squeeze %dma_start3A_49 : memref<1x1x128xi32, #tpu.memory_space<vmem>> -> memref<128xi32, #tpu.memory_space<vmem>>
    %dma_start3A_51 = arith.constant 0 : i32
    %dma_start3A_52 = arith.constant 0 : i32
    %dma_start3A_53 = tpu.memref_slice %arg3[%dma_start3A_51, %dma_start3A_52] : memref<100000x64xf32, #tpu.memory_space<hbm>> -> memref<100000x64xf32, #tpu.memory_space<hbm>>
    tpu.enqueue_indirect_dma source(%dma_start3A_53 : memref<100000x64xf32, #tpu.memory_space<hbm>>) target(%arg8 : memref<128x64xf32, #tpu.memory_space<vmem>>) offsets(%dma_start3A_50 : memref<128xi32, #tpu.memory_space<vmem>>) semaphore(%arg12 : memref<!tpu.dma_semaphore, #tpu.memory_space<semaphore_mem>>)
    %scan3A = arith.constant 0 : i32
    %scan3A_54 = arith.constant 0 : i32
    %scan3A_55 = arith.constant 100 : i32
    %scan3A_56 = arith.addi %scan3A_54, %scan3A_55 : i32
    %scan3A_57 = arith.constant 1 : i32
    scf.for %scan3A_98 = %scan3A_54 to %scan3A_56 step %scan3A_57  : i32 {
      %mul3A_99 = arith.constant 2 : i32
      %mul3A_100 = arith.muli %mul3A_99, %scan3A_98 : i32
      %add3A_101 = arith.constant 0 : i32
      %add3A_102 = arith.addi %mul3A_100, %add3A_101 : i32
      %add3A_103 = arith.constant 1 : i32
      %add3A_104 = arith.addi %add3A_102, %add3A_103 : i32
      %lt3A = arith.constant 200 : i32
      %lt3A_105 = arith.cmpi slt, %add3A_104, %lt3A : i32
      %convert_element_type3A = arith.extui %lt3A_105 : i1 to i32
      %cond3A = arith.constant 0 : i32
      %cond3A_106 = arith.cmpi ne, %convert_element_type3A, %cond3A : i32
      scf.if %cond3A_106 {
        %add3A_203 = arith.constant 1 : i32
        %add3A_204 = arith.addi %add3A_102, %add3A_203 : i32
        %shift_right_arithmetic3A_205 = arith.constant 3 : i32
        %shift_right_arithmetic3A_206 = arith.shrsi %add3A_204, %shift_right_arithmetic3A_205 : i32
        %and3A_207 = arith.constant 7 : i32
        %and3A_208 = arith.andi %add3A_204, %and3A_207 : i32
        %dma_start3A_209 = arith.constant 0 : i32
        %dma_start3A_210 = tpu.memref_slice %arg6[%shift_right_arithmetic3A_206, %and3A_208, %dma_start3A_209] : memref<25x8x128xi32, #tpu.memory_space<vmem>> -> memref<1x1x128xi32, #tpu.memory_space<vmem>>
        %dma_start3A_211 = tpu.memref_squeeze %dma_start3A_210 : memref<1x1x128xi32, #tpu.memory_space<vmem>> -> memref<128xi32, #tpu.memory_space<vmem>>
        %dma_start3A_212 = arith.constant 0 : i32
        %dma_start3A_213 = arith.constant 0 : i32
        %dma_start3A_214 = tpu.memref_slice %arg3[%dma_start3A_212, %dma_start3A_213] : memref<100000x64xf32, #tpu.memory_space<hbm>> -> memref<100000x64xf32, #tpu.memory_space<hbm>>
        tpu.enqueue_indirect_dma source(%dma_start3A_214 : memref<100000x64xf32, #tpu.memory_space<hbm>>) target(%arg9 : memref<128x64xf32, #tpu.memory_space<vmem>>) offsets(%dma_start3A_211 : memref<128xi32, #tpu.memory_space<vmem>>) semaphore(%arg13 : memref<!tpu.dma_semaphore, #tpu.memory_space<semaphore_mem>>)
      } else {
      }
      %dma_wait3A_107 = arith.constant 0 : i32
      %dma_wait3A_108 = arith.constant 0 : i32
      %dma_wait3A_109 = tpu.memref_slice %arg3[%dma_wait3A_107, %dma_wait3A_108] : memref<100000x64xf32, #tpu.memory_space<hbm>> -> memref<128x64xf32, #tpu.memory_space<hbm>>
      %dma_wait3A_110 = arith.constant 0 : i32
      %dma_wait3A_111 = arith.constant 0 : i32
      %dma_wait3A_112 = tpu.memref_slice %arg3[%dma_wait3A_110, %dma_wait3A_111] : memref<100000x64xf32, #tpu.memory_space<hbm>> -> memref<128x64xf32, #tpu.memory_space<hbm>>
      tpu.wait_dma2 semaphore(%arg12 : memref<!tpu.dma_semaphore, #tpu.memory_space<semaphore_mem>>) src(%dma_wait3A_112 : memref<128x64xf32, #tpu.memory_space<hbm>>) dst(%arg8 : memref<128x64xf32, #tpu.memory_space<vmem>>)
      %ge3A = arith.constant 2 : i32
      %ge3A_113 = arith.cmpi sge, %add3A_102, %ge3A : i32
      %convert_element_type3A_114 = arith.extui %ge3A_113 : i1 to i32
      %cond3A_115 = arith.constant 0 : i32
      %cond3A_116 = arith.cmpi ne, %convert_element_type3A_114, %cond3A_115 : i32
      scf.if %cond3A_116 {
        %dma_wait3A_203 = arith.constant 0 : i32
        %dma_wait3A_204 = arith.constant 0 : i32
        %dma_wait3A_205 = arith.constant 0 : i32
        %dma_wait3A_206 = arith.constant 0 : i32
        %dma_wait3A_207 = arith.constant 0 : i32
        %dma_wait3A_208 = tpu.memref_slice %arg10[%dma_wait3A_205, %dma_wait3A_206, %dma_wait3A_207] : memref<8x8x129xf32, #tpu.memory_space<vmem>> -> memref<8x8x128xf32, #tpu.memory_space<vmem>>
        %dma_wait3A_209 = arith.constant 0 : i32
        %dma_wait3A_210 = arith.constant 0 : i32
        %dma_wait3A_211 = arith.constant 0 : i32
        %dma_wait3A_212 = tpu.memref_slice %arg5[%dma_wait3A_203, %dma_wait3A_209, %dma_wait3A_204, %dma_wait3A_210, %dma_wait3A_211] : memref<200x8x32x8x128xf32, #tpu.memory_space<hbm>> -> memref<1x8x1x8x128xf32, #tpu.memory_space<hbm>>
        %dma_wait3A_213 = tpu.memref_squeeze %dma_wait3A_212 : memref<1x8x1x8x128xf32, #tpu.memory_space<hbm>> -> memref<8x8x128xf32, #tpu.memory_space<hbm>>
        %dma_wait3A_214 = arith.constant 0 : i32
        %dma_wait3A_215 = arith.constant 0 : i32
        %dma_wait3A_216 = arith.constant 0 : i32
        %dma_wait3A_217 = tpu.memref_slice %arg5[%dma_wait3A_203, %dma_wait3A_214, %dma_wait3A_204, %dma_wait3A_215, %dma_wait3A_216] : memref<200x8x32x8x128xf32, #tpu.memory_space<hbm>> -> memref<1x8x1x8x128xf32, #tpu.memory_space<hbm>>
        %dma_wait3A_218 = tpu.memref_squeeze %dma_wait3A_217 : memref<1x8x1x8x128xf32, #tpu.memory_space<hbm>> -> memref<8x8x128xf32, #tpu.memory_space<hbm>>
        %dma_wait3A_219 = arith.constant 0 : i32
        %dma_wait3A_220 = arith.constant 0 : i32
        %dma_wait3A_221 = arith.constant 0 : i32
        %dma_wait3A_222 = tpu.memref_slice %arg10[%dma_wait3A_219, %dma_wait3A_220, %dma_wait3A_221] : memref<8x8x129xf32, #tpu.memory_space<vmem>> -> memref<8x8x128xf32, #tpu.memory_space<vmem>>
        tpu.wait_dma2 semaphore(%arg14 : memref<!tpu.dma_semaphore, #tpu.memory_space<semaphore_mem>>) src(%dma_wait3A_222 : memref<8x8x128xf32, #tpu.memory_space<vmem>>) dst(%dma_wait3A_218 : memref<8x8x128xf32, #tpu.memory_space<hbm>>)
      } else {
      }
      %get3A = arith.index_cast %add3A_102 : i32 to index
      %get3A_117 = arith.constant 0 : index
      %get3A_118 = tpu.vector_load %arg7[%get3A, %get3A_117] {strides = array<i32>} : memref<200x64xf32, #tpu.memory_space<vmem>>, vector<16xf32>,
      %get3A_119 = arith.index_cast %add3A_102 : i32 to index
      %get3A_120 = arith.constant 16 : index
      %get3A_121 = tpu.vector_load %arg7[%get3A_119, %get3A_120] {strides = array<i32>} : memref<200x64xf32, #tpu.memory_space<vmem>>, vector<16xf32>,
      %get3A_122 = arith.index_cast %add3A_102 : i32 to index
      %get3A_123 = arith.constant 32 : index
      %get3A_124 = tpu.vector_load %arg7[%get3A_122, %get3A_123] {strides = array<i32>} : memref<200x64xf32, #tpu.memory_space<vmem>>, vector<16xf32>,
      %get3A_125 = arith.index_cast %add3A_102 : i32 to index
      %get3A_126 = arith.constant 48 : index
      %get3A_127 = tpu.vector_load %arg7[%get3A_125, %get3A_126] {strides = array<i32>} : memref<200x64xf32, #tpu.memory_space<vmem>>, vector<16xf32>,
      %parallel_loop3A = arith.constant 0 : i32
      %parallel_loop3A_128 = arith.constant 128 : i32
      %parallel_loop3A_129 = arith.constant 1 : i32
      scf.for %parallel_loop3A_203 = %parallel_loop3A to %parallel_loop3A_128 step %parallel_loop3A_129  : i32 {
        %parallel_loop3A_204 = vector.broadcast %parallel_loop3A_203 : i32 to vector<16xi32>
        %parallel_loop3A_205 = arith.index_cast %parallel_loop3A_203 : i32 to index
        %parallel_loop3A_206 = arith.constant 0 : index
        %parallel_loop3A_207 = tpu.vector_load %arg8[%parallel_loop3A_205, %parallel_loop3A_206] {strides = array<i32>} : memref<128x64xf32, #tpu.memory_space<vmem>>, vector<16xf32>,
        %parallel_loop3A_208 = arith.addf %parallel_loop3A_207, %get3A_118 : vector<16xf32>
        tpu.vector_store_idx %arg10[%shift_right_arithmetic3A_5, %and3A_28, %parallel_loop3A_204], %parallel_loop3A_208 : memref<8x8x129xf32, #tpu.memory_space<vmem>>[vector<16xi32>, vector<16xi32>, vector<16xi32>], vector<16xf32>,
        %parallel_loop3A_209 = arith.index_cast %parallel_loop3A_203 : i32 to index
        %parallel_loop3A_210 = arith.constant 16 : index
        %parallel_loop3A_211 = tpu.vector_load %arg8[%parallel_loop3A_209, %parallel_loop3A_210] {strides = array<i32>} : memref<128x64xf32, #tpu.memory_space<vmem>>, vector<16xf32>,
        %parallel_loop3A_212 = arith.addf %parallel_loop3A_211, %get3A_121 : vector<16xf32>
        tpu.vector_store_idx %arg10[%shift_right_arithmetic3A_11, %and3A_34, %parallel_loop3A_204], %parallel_loop3A_212 : memref<8x8x129xf32, #tpu.memory_space<vmem>>[vector<16xi32>, vector<16xi32>, vector<16xi32>], vector<16xf32>,
        %parallel_loop3A_213 = arith.index_cast %parallel_loop3A_203 : i32 to index
        %parallel_loop3A_214 = arith.constant 32 : index
        %parallel_loop3A_215 = tpu.vector_load %arg8[%parallel_loop3A_213, %parallel_loop3A_214] {strides = array<i32>} : memref<128x64xf32, #tpu.memory_space<vmem>>, vector<16xf32>,
        %parallel_loop3A_216 = arith.addf %parallel_loop3A_215, %get3A_124 : vector<16xf32>
        tpu.vector_store_idx %arg10[%shift_right_arithmetic3A_17, %and3A_40, %parallel_loop3A_204], %parallel_loop3A_216 : memref<8x8x129xf32, #tpu.memory_space<vmem>>[vector<16xi32>, vector<16xi32>, vector<16xi32>], vector<16xf32>,
        %parallel_loop3A_217 = arith.index_cast %parallel_loop3A_203 : i32 to index
        %parallel_loop3A_218 = arith.constant 48 : index
        %parallel_loop3A_219 = tpu.vector_load %arg8[%parallel_loop3A_217, %parallel_loop3A_218] {strides = array<i32>} : memref<128x64xf32, #tpu.memory_space<vmem>>, vector<16xf32>,
        %parallel_loop3A_220 = arith.addf %parallel_loop3A_219, %get3A_127 : vector<16xf32>
        tpu.vector_store_idx %arg10[%shift_right_arithmetic3A_23, %and3A_46, %parallel_loop3A_204], %parallel_loop3A_220 : memref<8x8x129xf32, #tpu.memory_space<vmem>>[vector<16xi32>, vector<16xi32>, vector<16xi32>], vector<16xf32>,
      } {sc.loop_unroll_factor = 4 : i64, sc.parallel_access}
      %dma_start3A_130 = arith.constant 0 : i32
      %dma_start3A_131 = arith.constant 0 : i32
      %dma_start3A_132 = arith.constant 0 : i32
      %dma_start3A_133 = tpu.memref_slice %arg10[%dma_start3A_130, %dma_start3A_131, %dma_start3A_132] : memref<8x8x129xf32, #tpu.memory_space<vmem>> -> memref<8x8x128xf32, #tpu.memory_space<vmem>>
      %dma_start3A_134 = arith.constant 0 : i32
      %dma_start3A_135 = arith.constant 0 : i32
      %dma_start3A_136 = arith.constant 0 : i32
      %dma_start3A_137 = tpu.memref_slice %arg5[%add3A_102, %dma_start3A_134, %add3A, %dma_start3A_135, %dma_start3A_136] : memref<200x8x32x8x128xf32, #tpu.memory_space<hbm>> -> memref<1x8x1x8x128xf32, #tpu.memory_space<hbm>>
      %dma_start3A_138 = tpu.memref_squeeze %dma_start3A_137 : memref<1x8x1x8x128xf32, #tpu.memory_space<hbm>> -> memref<8x8x128xf32, #tpu.memory_space<hbm>>
      %dma_start3A_139 = arith.constant 0 : i32
      %dma_start3A_140 = arith.constant 0 : i32
      %dma_start3A_141 = arith.constant 0 : i32
      %dma_start3A_142 = tpu.memref_slice %arg5[%add3A_102, %dma_start3A_139, %add3A, %dma_start3A_140, %dma_start3A_141] : memref<200x8x32x8x128xf32, #tpu.memory_space<hbm>> -> memref<1x8x1x8x128xf32, #tpu.memory_space<hbm>>
      %dma_start3A_143 = tpu.memref_squeeze %dma_start3A_142 : memref<1x8x1x8x128xf32, #tpu.memory_space<hbm>> -> memref<8x8x128xf32, #tpu.memory_space<hbm>>
      %dma_start3A_144 = arith.constant 0 : i32
      %dma_start3A_145 = arith.constant 0 : i32
      %dma_start3A_146 = arith.constant 0 : i32
      %dma_start3A_147 = tpu.memref_slice %arg10[%dma_start3A_144, %dma_start3A_145, %dma_start3A_146] : memref<8x8x129xf32, #tpu.memory_space<vmem>> -> memref<8x8x128xf32, #tpu.memory_space<vmem>>
      tpu.enqueue_dma source(%dma_start3A_147 : memref<8x8x128xf32, #tpu.memory_space<vmem>>) target(%dma_start3A_143 : memref<8x8x128xf32, #tpu.memory_space<hbm>>) target_semaphore(%arg14 : memref<!tpu.dma_semaphore, #tpu.memory_space<semaphore_mem>>)
      %mul3A_148 = arith.constant 2 : i32
      %mul3A_149 = arith.muli %mul3A_148, %scan3A_98 : i32
      %add3A_150 = arith.constant 1 : i32
      %add3A_151 = arith.addi %mul3A_149, %add3A_150 : i32
      %add3A_152 = arith.constant 1 : i32
      %add3A_153 = arith.addi %add3A_151, %add3A_152 : i32
      %lt3A_154 = arith.constant 200 : i32
      %lt3A_155 = arith.cmpi slt, %add3A_153, %lt3A_154 : i32
      %convert_element_type3A_156 = arith.extui %lt3A_155 : i1 to i32
      %cond3A_157 = arith.constant 0 : i32
      %cond3A_158 = arith.cmpi ne, %convert_element_type3A_156, %cond3A_157 : i32
      scf.if %cond3A_158 {
        %add3A_203 = arith.constant 1 : i32
        %add3A_204 = arith.addi %add3A_151, %add3A_203 : i32
        %shift_right_arithmetic3A_205 = arith.constant 3 : i32
        %shift_right_arithmetic3A_206 = arith.shrsi %add3A_204, %shift_right_arithmetic3A_205 : i32
        %and3A_207 = arith.constant 7 : i32
        %and3A_208 = arith.andi %add3A_204, %and3A_207 : i32
        %dma_start3A_209 = arith.constant 0 : i32
        %dma_start3A_210 = tpu.memref_slice %arg6[%shift_right_arithmetic3A_206, %and3A_208, %dma_start3A_209] : memref<25x8x128xi32, #tpu.memory_space<vmem>> -> memref<1x1x128xi32, #tpu.memory_space<vmem>>
        %dma_start3A_211 = tpu.memref_squeeze %dma_start3A_210 : memref<1x1x128xi32, #tpu.memory_space<vmem>> -> memref<128xi32, #tpu.memory_space<vmem>>
        %dma_start3A_212 = arith.constant 0 : i32
        %dma_start3A_213 = arith.constant 0 : i32
        %dma_start3A_214 = tpu.memref_slice %arg3[%dma_start3A_212, %dma_start3A_213] : memref<100000x64xf32, #tpu.memory_space<hbm>> -> memref<100000x64xf32, #tpu.memory_space<hbm>>
        tpu.enqueue_indirect_dma source(%dma_start3A_214 : memref<100000x64xf32, #tpu.memory_space<hbm>>) target(%arg8 : memref<128x64xf32, #tpu.memory_space<vmem>>) offsets(%dma_start3A_211 : memref<128xi32, #tpu.memory_space<vmem>>) semaphore(%arg12 : memref<!tpu.dma_semaphore, #tpu.memory_space<semaphore_mem>>)
      } else {
      }
      %dma_wait3A_159 = arith.constant 0 : i32
      %dma_wait3A_160 = arith.constant 0 : i32
      %dma_wait3A_161 = tpu.memref_slice %arg3[%dma_wait3A_159, %dma_wait3A_160] : memref<100000x64xf32, #tpu.memory_space<hbm>> -> memref<128x64xf32, #tpu.memory_space<hbm>>
      %dma_wait3A_162 = arith.constant 0 : i32
      %dma_wait3A_163 = arith.constant 0 : i32
      %dma_wait3A_164 = tpu.memref_slice %arg3[%dma_wait3A_162, %dma_wait3A_163] : memref<100000x64xf32, #tpu.memory_space<hbm>> -> memref<128x64xf32, #tpu.memory_space<hbm>>
      tpu.wait_dma2 semaphore(%arg13 : memref<!tpu.dma_semaphore, #tpu.memory_space<semaphore_mem>>) src(%dma_wait3A_164 : memref<128x64xf32, #tpu.memory_space<hbm>>) dst(%arg9 : memref<128x64xf32, #tpu.memory_space<vmem>>)
      %ge3A_165 = arith.constant 2 : i32
      %ge3A_166 = arith.cmpi sge, %add3A_151, %ge3A_165 : i32
      %convert_element_type3A_167 = arith.extui %ge3A_166 : i1 to i32
      %cond3A_168 = arith.constant 0 : i32
      %cond3A_169 = arith.cmpi ne, %convert_element_type3A_167, %cond3A_168 : i32
      scf.if %cond3A_169 {
        %dma_wait3A_203 = arith.constant 0 : i32
        %dma_wait3A_204 = arith.constant 0 : i32
        %dma_wait3A_205 = arith.constant 0 : i32
        %dma_wait3A_206 = arith.constant 0 : i32
        %dma_wait3A_207 = arith.constant 0 : i32
        %dma_wait3A_208 = tpu.memref_slice %arg11[%dma_wait3A_205, %dma_wait3A_206, %dma_wait3A_207] : memref<8x8x129xf32, #tpu.memory_space<vmem>> -> memref<8x8x128xf32, #tpu.memory_space<vmem>>
        %dma_wait3A_209 = arith.constant 0 : i32
        %dma_wait3A_210 = arith.constant 0 : i32
        %dma_wait3A_211 = arith.constant 0 : i32
        %dma_wait3A_212 = tpu.memref_slice %arg5[%dma_wait3A_203, %dma_wait3A_209, %dma_wait3A_204, %dma_wait3A_210, %dma_wait3A_211] : memref<200x8x32x8x128xf32, #tpu.memory_space<hbm>> -> memref<1x8x1x8x128xf32, #tpu.memory_space<hbm>>
        %dma_wait3A_213 = tpu.memref_squeeze %dma_wait3A_212 : memref<1x8x1x8x128xf32, #tpu.memory_space<hbm>> -> memref<8x8x128xf32, #tpu.memory_space<hbm>>
        %dma_wait3A_214 = arith.constant 0 : i32
        %dma_wait3A_215 = arith.constant 0 : i32
        %dma_wait3A_216 = arith.constant 0 : i32
        %dma_wait3A_217 = tpu.memref_slice %arg5[%dma_wait3A_203, %dma_wait3A_214, %dma_wait3A_204, %dma_wait3A_215, %dma_wait3A_216] : memref<200x8x32x8x128xf32, #tpu.memory_space<hbm>> -> memref<1x8x1x8x128xf32, #tpu.memory_space<hbm>>
        %dma_wait3A_218 = tpu.memref_squeeze %dma_wait3A_217 : memref<1x8x1x8x128xf32, #tpu.memory_space<hbm>> -> memref<8x8x128xf32, #tpu.memory_space<hbm>>
        %dma_wait3A_219 = arith.constant 0 : i32
        %dma_wait3A_220 = arith.constant 0 : i32
        %dma_wait3A_221 = arith.constant 0 : i32
        %dma_wait3A_222 = tpu.memref_slice %arg11[%dma_wait3A_219, %dma_wait3A_220, %dma_wait3A_221] : memref<8x8x129xf32, #tpu.memory_space<vmem>> -> memref<8x8x128xf32, #tpu.memory_space<vmem>>
        tpu.wait_dma2 semaphore(%arg15 : memref<!tpu.dma_semaphore, #tpu.memory_space<semaphore_mem>>) src(%dma_wait3A_222 : memref<8x8x128xf32, #tpu.memory_space<vmem>>) dst(%dma_wait3A_218 : memref<8x8x128xf32, #tpu.memory_space<hbm>>)
      } else {
      }
      %get3A_170 = arith.index_cast %add3A_151 : i32 to index
      %get3A_171 = arith.constant 0 : index
      %get3A_172 = tpu.vector_load %arg7[%get3A_170, %get3A_171] {strides = array<i32>} : memref<200x64xf32, #tpu.memory_space<vmem>>, vector<16xf32>,
      %get3A_173 = arith.index_cast %add3A_151 : i32 to index
      %get3A_174 = arith.constant 16 : index
      %get3A_175 = tpu.vector_load %arg7[%get3A_173, %get3A_174] {strides = array<i32>} : memref<200x64xf32, #tpu.memory_space<vmem>>, vector<16xf32>,
      %get3A_176 = arith.index_cast %add3A_151 : i32 to index
      %get3A_177 = arith.constant 32 : index
      %get3A_178 = tpu.vector_load %arg7[%get3A_176, %get3A_177] {strides = array<i32>} : memref<200x64xf32, #tpu.memory_space<vmem>>, vector<16xf32>,
      %get3A_179 = arith.index_cast %add3A_151 : i32 to index
      %get3A_180 = arith.constant 48 : index
      %get3A_181 = tpu.vector_load %arg7[%get3A_179, %get3A_180] {strides = array<i32>} : memref<200x64xf32, #tpu.memory_space<vmem>>, vector<16xf32>,
      %parallel_loop3A_182 = arith.constant 0 : i32
      %parallel_loop3A_183 = arith.constant 128 : i32
      %parallel_loop3A_184 = arith.constant 1 : i32
      scf.for %parallel_loop3A_203 = %parallel_loop3A_182 to %parallel_loop3A_183 step %parallel_loop3A_184  : i32 {
        %parallel_loop3A_204 = vector.broadcast %parallel_loop3A_203 : i32 to vector<16xi32>
        %parallel_loop3A_205 = arith.index_cast %parallel_loop3A_203 : i32 to index
        %parallel_loop3A_206 = arith.constant 0 : index
        %parallel_loop3A_207 = tpu.vector_load %arg9[%parallel_loop3A_205, %parallel_loop3A_206] {strides = array<i32>} : memref<128x64xf32, #tpu.memory_space<vmem>>, vector<16xf32>,
        %parallel_loop3A_208 = arith.addf %parallel_loop3A_207, %get3A_172 : vector<16xf32>
        tpu.vector_store_idx %arg11[%shift_right_arithmetic3A_5, %and3A_28, %parallel_loop3A_204], %parallel_loop3A_208 : memref<8x8x129xf32, #tpu.memory_space<vmem>>[vector<16xi32>, vector<16xi32>, vector<16xi32>], vector<16xf32>,
        %parallel_loop3A_209 = arith.index_cast %parallel_loop3A_203 : i32 to index
        %parallel_loop3A_210 = arith.constant 16 : index
        %parallel_loop3A_211 = tpu.vector_load %arg9[%parallel_loop3A_209, %parallel_loop3A_210] {strides = array<i32>} : memref<128x64xf32, #tpu.memory_space<vmem>>, vector<16xf32>,
        %parallel_loop3A_212 = arith.addf %parallel_loop3A_211, %get3A_175 : vector<16xf32>
        tpu.vector_store_idx %arg11[%shift_right_arithmetic3A_11, %and3A_34, %parallel_loop3A_204], %parallel_loop3A_212 : memref<8x8x129xf32, #tpu.memory_space<vmem>>[vector<16xi32>, vector<16xi32>, vector<16xi32>], vector<16xf32>,
        %parallel_loop3A_213 = arith.index_cast %parallel_loop3A_203 : i32 to index
        %parallel_loop3A_214 = arith.constant 32 : index
        %parallel_loop3A_215 = tpu.vector_load %arg9[%parallel_loop3A_213, %parallel_loop3A_214] {strides = array<i32>} : memref<128x64xf32, #tpu.memory_space<vmem>>, vector<16xf32>,
        %parallel_loop3A_216 = arith.addf %parallel_loop3A_215, %get3A_178 : vector<16xf32>
        tpu.vector_store_idx %arg11[%shift_right_arithmetic3A_17, %and3A_40, %parallel_loop3A_204], %parallel_loop3A_216 : memref<8x8x129xf32, #tpu.memory_space<vmem>>[vector<16xi32>, vector<16xi32>, vector<16xi32>], vector<16xf32>,
        %parallel_loop3A_217 = arith.index_cast %parallel_loop3A_203 : i32 to index
        %parallel_loop3A_218 = arith.constant 48 : index
        %parallel_loop3A_219 = tpu.vector_load %arg9[%parallel_loop3A_217, %parallel_loop3A_218] {strides = array<i32>} : memref<128x64xf32, #tpu.memory_space<vmem>>, vector<16xf32>,
        %parallel_loop3A_220 = arith.addf %parallel_loop3A_219, %get3A_181 : vector<16xf32>
        tpu.vector_store_idx %arg11[%shift_right_arithmetic3A_23, %and3A_46, %parallel_loop3A_204], %parallel_loop3A_220 : memref<8x8x129xf32, #tpu.memory_space<vmem>>[vector<16xi32>, vector<16xi32>, vector<16xi32>], vector<16xf32>,
      } {sc.loop_unroll_factor = 4 : i64, sc.parallel_access}
      %dma_start3A_185 = arith.constant 0 : i32
      %dma_start3A_186 = arith.constant 0 : i32
      %dma_start3A_187 = arith.constant 0 : i32
      %dma_start3A_188 = tpu.memref_slice %arg11[%dma_start3A_185, %dma_start3A_186, %dma_start3A_187] : memref<8x8x129xf32, #tpu.memory_space<vmem>> -> memref<8x8x128xf32, #tpu.memory_space<vmem>>
      %dma_start3A_189 = arith.constant 0 : i32
      %dma_start3A_190 = arith.constant 0 : i32
      %dma_start3A_191 = arith.constant 0 : i32
      %dma_start3A_192 = tpu.memref_slice %arg5[%add3A_151, %dma_start3A_189, %add3A, %dma_start3A_190, %dma_start3A_191] : memref<200x8x32x8x128xf32, #tpu.memory_space<hbm>> -> memref<1x8x1x8x128xf32, #tpu.memory_space<hbm>>
      %dma_start3A_193 = tpu.memref_squeeze %dma_start3A_192 : memref<1x8x1x8x128xf32, #tpu.memory_space<hbm>> -> memref<8x8x128xf32, #tpu.memory_space<hbm>>
      %dma_start3A_194 = arith.constant 0 : i32
      %dma_start3A_195 = arith.constant 0 : i32
      %dma_start3A_196 = arith.constant 0 : i32
      %dma_start3A_197 = tpu.memref_slice %arg5[%add3A_151, %dma_start3A_194, %add3A, %dma_start3A_195, %dma_start3A_196] : memref<200x8x32x8x128xf32, #tpu.memory_space<hbm>> -> memref<1x8x1x8x128xf32, #tpu.memory_space<hbm>>
      %dma_start3A_198 = tpu.memref_squeeze %dma_start3A_197 : memref<1x8x1x8x128xf32, #tpu.memory_space<hbm>> -> memref<8x8x128xf32, #tpu.memory_space<hbm>>
      %dma_start3A_199 = arith.constant 0 : i32
      %dma_start3A_200 = arith.constant 0 : i32
      %dma_start3A_201 = arith.constant 0 : i32
      %dma_start3A_202 = tpu.memref_slice %arg11[%dma_start3A_199, %dma_start3A_200, %dma_start3A_201] : memref<8x8x129xf32, #tpu.memory_space<vmem>> -> memref<8x8x128xf32, #tpu.memory_space<vmem>>
      tpu.enqueue_dma source(%dma_start3A_202 : memref<8x8x128xf32, #tpu.memory_space<vmem>>) target(%dma_start3A_198 : memref<8x8x128xf32, #tpu.memory_space<hbm>>) target_semaphore(%arg15 : memref<!tpu.dma_semaphore, #tpu.memory_space<semaphore_mem>>)
    }
    %scan3A_58 = arith.constant 100 : i32
    %dma_wait3A = arith.constant 0 : i32
    %dma_wait3A_59 = arith.constant 0 : i32
    %dma_wait3A_60 = arith.constant 0 : i32
    %dma_wait3A_61 = arith.constant 0 : i32
    %dma_wait3A_62 = arith.constant 0 : i32
    %dma_wait3A_63 = tpu.memref_slice %arg10[%dma_wait3A_60, %dma_wait3A_61, %dma_wait3A_62] : memref<8x8x129xf32, #tpu.memory_space<vmem>> -> memref<8x8x128xf32, #tpu.memory_space<vmem>>
    %dma_wait3A_64 = arith.constant 0 : i32
    %dma_wait3A_65 = arith.constant 0 : i32
    %dma_wait3A_66 = arith.constant 0 : i32
    %dma_wait3A_67 = tpu.memref_slice %arg5[%dma_wait3A, %dma_wait3A_64, %dma_wait3A_59, %dma_wait3A_65, %dma_wait3A_66] : memref<200x8x32x8x128xf32, #tpu.memory_space<hbm>> -> memref<1x8x1x8x128xf32, #tpu.memory_space<hbm>>
    %dma_wait3A_68 = tpu.memref_squeeze %dma_wait3A_67 : memref<1x8x1x8x128xf32, #tpu.memory_space<hbm>> -> memref<8x8x128xf32, #tpu.memory_space<hbm>>
    %dma_wait3A_69 = arith.constant 0 : i32
    %dma_wait3A_70 = arith.constant 0 : i32
    %dma_wait3A_71 = arith.constant 0 : i32
    %dma_wait3A_72 = tpu.memref_slice %arg5[%dma_wait3A, %dma_wait3A_69, %dma_wait3A_59, %dma_wait3A_70, %dma_wait3A_71] : memref<200x8x32x8x128xf32, #tpu.memory_space<hbm>> -> memref<1x8x1x8x128xf32, #tpu.memory_space<hbm>>
    %dma_wait3A_73 = tpu.memref_squeeze %dma_wait3A_72 : memref<1x8x1x8x128xf32, #tpu.memory_space<hbm>> -> memref<8x8x128xf32, #tpu.memory_space<hbm>>
    %dma_wait3A_74 = arith.constant 0 : i32
    %dma_wait3A_75 = arith.constant 0 : i32
    %dma_wait3A_76 = arith.constant 0 : i32
    %dma_wait3A_77 = tpu.memref_slice %arg10[%dma_wait3A_74, %dma_wait3A_75, %dma_wait3A_76] : memref<8x8x129xf32, #tpu.memory_space<vmem>> -> memref<8x8x128xf32, #tpu.memory_space<vmem>>
    tpu.wait_dma2 semaphore(%arg14 : memref<!tpu.dma_semaphore, #tpu.memory_space<semaphore_mem>>) src(%dma_wait3A_77 : memref<8x8x128xf32, #tpu.memory_space<vmem>>) dst(%dma_wait3A_73 : memref<8x8x128xf32, #tpu.memory_space<hbm>>)
    %dma_wait3A_78 = arith.constant 0 : i32
    %dma_wait3A_79 = arith.constant 0 : i32
    %dma_wait3A_80 = arith.constant 0 : i32
    %dma_wait3A_81 = arith.constant 0 : i32
    %dma_wait3A_82 = arith.constant 0 : i32
    %dma_wait3A_83 = tpu.memref_slice %arg11[%dma_wait3A_80, %dma_wait3A_81, %dma_wait3A_82] : memref<8x8x129xf32, #tpu.memory_space<vmem>> -> memref<8x8x128xf32, #tpu.memory_space<vmem>>
    %dma_wait3A_84 = arith.constant 0 : i32
    %dma_wait3A_85 = arith.constant 0 : i32
    %dma_wait3A_86 = arith.constant 0 : i32
    %dma_wait3A_87 = tpu.memref_slice %arg5[%dma_wait3A_78, %dma_wait3A_84, %dma_wait3A_79, %dma_wait3A_85, %dma_wait3A_86] : memref<200x8x32x8x128xf32, #tpu.memory_space<hbm>> -> memref<1x8x1x8x128xf32, #tpu.memory_space<hbm>>
    %dma_wait3A_88 = tpu.memref_squeeze %dma_wait3A_87 : memref<1x8x1x8x128xf32, #tpu.memory_space<hbm>> -> memref<8x8x128xf32, #tpu.memory_space<hbm>>
    %dma_wait3A_89 = arith.constant 0 : i32
    %dma_wait3A_90 = arith.constant 0 : i32
    %dma_wait3A_91 = arith.constant 0 : i32
    %dma_wait3A_92 = tpu.memref_slice %arg5[%dma_wait3A_78, %dma_wait3A_89, %dma_wait3A_79, %dma_wait3A_90, %dma_wait3A_91] : memref<200x8x32x8x128xf32, #tpu.memory_space<hbm>> -> memref<1x8x1x8x128xf32, #tpu.memory_space<hbm>>
    %dma_wait3A_93 = tpu.memref_squeeze %dma_wait3A_92 : memref<1x8x1x8x128xf32, #tpu.memory_space<hbm>> -> memref<8x8x128xf32, #tpu.memory_space<hbm>>
    %dma_wait3A_94 = arith.constant 0 : i32
    %dma_wait3A_95 = arith.constant 0 : i32
    %dma_wait3A_96 = arith.constant 0 : i32
    %dma_wait3A_97 = tpu.memref_slice %arg11[%dma_wait3A_94, %dma_wait3A_95, %dma_wait3A_96] : memref<8x8x129xf32, #tpu.memory_space<vmem>> -> memref<8x8x128xf32, #tpu.memory_space<vmem>>
    tpu.wait_dma2 semaphore(%arg15 : memref<!tpu.dma_semaphore, #tpu.memory_space<semaphore_mem>>) src(%dma_wait3A_97 : memref<8x8x128xf32, #tpu.memory_space<vmem>>) dst(%dma_wait3A_93 : memref<8x8x128xf32, #tpu.memory_space<hbm>>)
    return
  }
}

module attributes {stable_mosaic.version = 14 : i64} {
  func.func @body(%arg0: memref<200x64xf32, #tpu.memory_space<vmem>>) attributes {dimension_semantics = [], scalar_prefetch = 0 : i64, scratch_operands = 0 : i64, tpu.core_type = #tpu.core_type<tc>} {
    %iota3A = tpu.iota {dimensions = array<i32: 1>} : vector<200x64xi32>
    %convert_element_type3A = arith.sitofp %iota3A : vector<200x64xi32> to vector<200x64xf32>
    %iota3A_0 = tpu.iota {dimensions = array<i32: 0>} : vector<200x64xi32>
    %convert_element_type3A_1 = arith.sitofp %iota3A_0 : vector<200x64xi32> to vector<200x64xf32>
    %mul3A = arith.constant -0.115707792 : f32
    %mul3A_2 = vector.broadcast %mul3A : f32 to vector<200x64xf32>
    %mul3A_3 = arith.mulf %convert_element_type3A_1, %mul3A_2 : vector<200x64xf32>
    %exp3A = math.exp %mul3A_3 : vector<200x64xf32>
    %mul3A_4 = arith.mulf %convert_element_type3A, %exp3A : vector<200x64xf32>
    %sin3A = math.sin %mul3A_4 : vector<200x64xf32>
    %swap3A = arith.constant 0 : index
    %swap3A_5 = arith.constant 0 : index
    %swap3A_6 = vector.load %arg0[%swap3A, %swap3A_5] : memref<200x64xf32, #tpu.memory_space<vmem>>, vector<200x64xf32>
    tpu.vector_store %arg0[%swap3A, %swap3A_5], %sin3A {strides = array<i32>} : memref<200x64xf32, #tpu.memory_space<vmem>>, vector<200x64xf32>,
    return
  }
}

</mosaic_0001>

<sc_bundles>
// kernel: kernel.4.cloned.1.call-start
scs
__scs_entry_jumppad:
0x0: {  	(pc) =	sbr.rel $0x88, $3  }
0x1: {  	(tag) =	ssettag $0x0;
	lr =	simm.s32 $0x1  }
0x2: {  	[smem:$0x3F9F] =	sst lr;
	_ =	strace $0xD0000000  }
0x3: {  	_ = 	snop  }
0x4: {  	_ = 	snop  }
0x5: {  	_ = 	snop  }
0x6: {  	_ = 	snop  }
0x7: {  	_ = 	snop  }
__scs_overlays_trampoline_lowered:
0x8: {  	[smem:$0x3FAE] =	sst s0  }
0x9: {  	[smem:$0x3FAF] =	sst s1  }
0xa: {  	[smem:$0x3FB0] =	sst s2  }
0xb: {  	[smem:$0x3FB1] =	sst s3  }
0xc: {  	[smem:$0x3FB2] =	sst s4  }
0xd: {  	[smem:$0x3FB3] =	sst s5  }
0xe: {  	[smem:$0x3FB4] =	sst s6  }
0xf: {  	[smem:$0x3FB5] =	sst s7  }
0x10: {  	[smem:$0x3FB6] =	sst s8  }
0x11: {  	[smem:$0x3FB7] =	sst s9;
	s0 =	simm.s32 @!p0 $0x0  }
0x12: {  	s1 =	sld [smem:$0x3F9D];
	s0 =	simm.s32 @p0 $0x1  }
0x13: {  	[smem:$0x3FB8] =	sst s0;
	s0 =	simm.s32 @!p1 $0x0  }
0x14: {  	s2 =	sld [smem:$0x3F9C];
	s0 =	simm.s32 @p1 $0x1  }
0x15: {  	[smem:$0x3FB9] =	sst s0;
	s0 =	simm.s32 @!p2 $0x0  }
0x16: {  	s3 =	sld [smem:$0x3FDB];
	s0 =	simm.s32 @p2 $0x1  }
0x17: {  	s4 =	simm.s32 $0x1BF5;
	[smem:$0x3FBB] =	sst s0  }
0x18: {  	s0 =	sld [smem:$0x3F9E];
	_ =	swait.ge [sflag:s4], $0x0  }
0x19: {  	s7 =	sld [smem:$0x3F9F]  }
0x1a: {  	s8 =	sadd.s32 $0xFFFFE003, lr  }
0x1b: {  	s9 =	sadd.s32 $0xFFFFFEF7, lr;
	s5 =	simm.s32 $0xFFFFFFFF;
	p2 =	slt.u32 s8, $0xFFFFF086  }
0x1c: {  	p1 =	slt.u32 s9, $0xF7A;
	s5 =	simm.s32 @!p2 $0x0  }
0x1d: {  	s5 =	simm.s32 @p1 $0x1;
	p0 =	seq.s32 s7, s2  }
0x1e: {  	s7 =	smul.u32 @!p0 $0xF7A, s2;
	p2 =	seq.s32 @!p0 s5, $0x0  }
0x1f: {  	s9 =	smul.u32 $0xF7A, s1;
	s8 =	simm.s32 @!p0 $0x1BF5;
	p2 =	por !p2, p0  }
0x20: {  	[sflag:s8] =	ssyncset.s32 @!p0 $0xFFFFF086;
	s6 =	sadd.s32 @!p0 s3, s7;
	s7 =	simm.s32 @!p0 $0x108  }
0x21: {  	s3 =	sadd.s32 s3, s9;
	s6 =	sadd.s32 @!p0 $0x88, s6;
	s7 =	simm.s32 @p2 $0x1082  }
0x22: {  	[simem:s7], [sflag:s8] =	dma.local @!p0 [hbm:s6], $0xF7A  }
0x23: {  	s9 =	sor.u32 $0xD0000000, s2;
	s6 =	simm.s32 $0x108;
	_ =	swait.ge @!p0 [sflag:s8], $0x0  }
0x24: {  	s3 =	sadd.s32 $0x88, s3;
	s6 =	simm.s32 @!p1 $0x1082;
	[sflag:s4] =	ssyncset.s32 $0xFFFFF086  }
0x25: {  	[simem:s6], [sflag:s4] =	dma.local [hbm:s3], $0xF7A  }
0x26: {  	[smem:$0x3F9F] =	sst s1;
	(tag) =	ssettag s2;
	_ =	strace s9  }
0x27: {  	s1 =	sld [smem:$0x3FAF]  }
0x28: {  	s2 =	sld [smem:$0x3FB0]  }
0x29: {  	s4 =	sld [smem:$0x3FB2]  }
0x2a: {  	p0 =	seq.s32 s5, $0x0;
	s5 =	sld [smem:$0x3FB3]  }
0x2b: {  	s6 =	sld [smem:$0x3FB4]  }
0x2c: {  	s7 =	sld [smem:$0x3FB5]  }
0x2d: {  	s3 =	simm.s32 $0x108;
	s8 =	sld [smem:$0x3FB6]  }
0x2e: {  	s3 =	simm.s32 @!p0 $0x1082;
	s9 =	sld [smem:$0x3FB7]  }
0x2f: {  	lr =	sadd.s32 s0, s3;
	s0 =	sld [smem:$0x3FAE]  }
0x30: {  	s3 =	sld [smem:$0x3FB1]  }
0x31: {  	[smem:$0x3FBA] =	sst s10  }
0x32: {  	s10 =	sld [smem:$0x3FB8];
	_ =	sdelay $0x3  }
0x33: {  	p0 =	seq.s32 s10, $0x1;
	s10 =	sld [smem:$0x3FBA];
	_ =	sdelay $0x3  }
0x34: {  	[smem:$0x3FBA] =	sst s10  }
0x35: {  	s10 =	sld [smem:$0x3FB9];
	_ =	sdelay $0x3  }
0x36: {  	p1 =	seq.s32 s10, $0x1;
	s10 =	sld [smem:$0x3FBA];
	_ =	sdelay $0x3  }
0x37: {  	[smem:$0x3FBA] =	sst s10  }
0x38: {  	s10 =	sld [smem:$0x3FBB]  }
0x39: {  	_ = 	snop;
	(pc) =	sbr.ind lr, $3  }
0x3a: {  	_ = 	snop  }
0x3b: {  	_ = 	snop  }
0x3c: {  	p2 =	seq.s32 s10, $0x1;
	s10 =	sld [smem:$0x3FBA]  }
0x3d: {  	_ =	shalt  }
0x3e: {  	_ =	shalt  }
0x3f: {  	_ =	shalt  }
0x40: {  	_ =	shalt  }
0x41: {  	_ =	shalt  }
0x42: {  	_ =	shalt  }
0x43: {  	_ =	shalt  }
0x44: {  	_ =	shalt  }
0x45: {  	_ =	shalt  }
0x46: {  	_ =	shalt  }
0x47: {  	_ =	shalt  }
0x48: {  	_ =	shalt  }
0x49: {  	_ =	shalt  }
0x4a: {  	_ =	shalt  }
0x4b: {  	_ =	shalt  }
0x4c: {  	_ =	shalt  }
0x4d: {  	_ =	shalt  }
0x4e: {  	_ =	shalt  }
0x4f: {  	_ =	shalt  }
0x50: {  	_ =	shalt  }
0x51: {  	_ =	shalt  }
0x52: {  	_ =	shalt  }
0x53: {  	_ =	shalt  }
0x54: {  	_ =	shalt  }
0x55: {  	_ =	shalt  }
0x56: {  	_ =	shalt  }
0x57: {  	_ =	shalt  }
0x58: {  	_ =	shalt  }
0x59: {  	_ =	shalt  }
0x5a: {  	_ =	shalt  }
0x5b: {  	_ =	shalt  }
0x5c: {  	_ =	shalt  }
0x5d: {  	_ =	shalt  }
0x5e: {  	_ =	shalt  }
0x5f: {  	_ =	shalt  }
0x60: {  	_ =	shalt  }
0x61: {  	_ =	shalt  }
0x62: {  	_ =	shalt  }
0x63: {  	_ =	shalt  }
0x64: {  	_ =	shalt  }
0x65: {  	_ =	shalt  }
0x66: {  	_ =	shalt  }
0x67: {  	_ =	shalt  }
0x68: {  	_ =	shalt  }
0x69: {  	_ =	shalt  }
0x6a: {  	_ =	shalt  }
0x6b: {  	_ =	shalt  }
0x6c: {  	_ =	shalt  }
0x6d: {  	_ =	shalt  }
0x6e: {  	_ =	shalt  }
0x6f: {  	_ =	shalt  }
0x70: {  	_ =	shalt  }
0x71: {  	_ =	shalt  }
0x72: {  	_ =	shalt  }
0x73: {  	_ =	shalt  }
0x74: {  	_ =	shalt  }
0x75: {  	_ =	shalt  }
0x76: {  	_ =	shalt  }
0x77: {  	_ =	shalt  }
0x78: {  	_ =	shalt  }
0x79: {  	_ =	shalt  }
0x7a: {  	_ =	shalt  }
0x7b: {  	_ =	shalt  }
0x7c: {  	_ =	shalt  }
0x7d: {  	_ =	shalt  }
0x7e: {  	_ =	shalt  }
0x7f: {  	_ =	shalt  }
0x80: {  	_ =	shalt  }
0x81: {  	_ =	shalt  }
0x82: {  	_ =	shalt  }
0x83: {  	_ =	shalt  }
0x84: {  	_ =	shalt  }
0x85: {  	_ =	shalt  }
0x86: {  	_ =	shalt  }
0x87: {  	_ =	shalt  }
.Lfunc_end0:
.L_simem_size_0:
called_computation_lowered:
.L_overlay_start_0:
0x88: {  	s2 =	sld [smem:$0x3FD9]  }
0x89: {  	s3 =	sld [smem:$0x3FFE];
	_ =	sdelay $0x1  }
0x8a: {  	s1 =	srdreg.scid  }
0x8b: {  	s0 =	sand.u32 $0x1, s1  }
0x8c: {  	s17 =	sshll.u32 s0, $0xA;
	s2 =	sadd.s32 s3, s2  }
0x8d: {  	s2 =	sadd.s32 s2, s17  }
0x8e: {  	[smem:$0x3FC6] =	sst s2  }
0x8f: {  	_ = 	snop  }
0x90: {  	s2 =	sld [smem:$0x3FC9]  }
0x91: {  	s18 =	sld [smem:$0x3FD0];
	(tm) =	ssettm $0x1  }
0x92: {  	s4 =	sld [smem:$0x3FFB];
	_ =	sdelay $0x3  }
0x93: {  	_ =	strace s4  }
0x94: {  	s4 =	sld [smem:$0x3FFC];
	_ =	sdelay $0x3  }
0x95: {  	_ =	strace s4  }
0x96: {  	s4 =	sld [smem:$0x3FFD];
	_ =	sdelay $0x3  }
0x97: {  	_ =	strace s4  }
0x98: {  	_ =	strace $0x8FFFFFFF  }
0x99: {  	s19 =	sld [smem:$0x3FDB];
	_ =	sdelay $0x1  }
0x9a: {  	s5 =	simm.s32 $_scs_section_size  }
0x9b: {  	s6 =	simm.s32 $_size__tile_overlayer_lowered;
	s7 =	simm.s32 $_tile_overlayer_lowered  }
0x9c: {  	s22 =	simm.s32 $0x1BFF;
	s21 =	sshll.u32 s7, $0x1;
	s4 =	sadd.s32 s5, s19  }
0x9d: {  	s8 =	simm.s32 $0x0;
	s20 =	sshll.u32 s6, $0x1;
	s6 =	sadd.s32 s21, s4  }
0x9e: {  	[timem:s8], [sflag:s22] =	dma.local [hbm:s6], s20  }
0x9f: {  	_ =	swait.ge [sflag:s22], s20  }
0xa0: {  	s5 =	ssub.s32 $0x0, s20;
	[sflag:s22] =	ssyncset.done $0x0  }
0xa1: {  	[sflag:s22] =	ssyncadd.s32 s5;
	_ =	sdelay $0x1  }
0xa2: {  	s23 =	simm.s32 $0x1B8B  }
0xa3: {  	_ =	swait.ge [sflag:s23], $0x1  }
0xa4: {  	[sflag:s23] =	ssyncset.done $0x0  }
0xa5: {  	s25 =	simm.s32 $0x1B8E;
	s24 =	sld [smem:$0x3FFE];
	[sflag:s23] =	ssyncadd.s32 $0xFFFFFFFF  }
0xa6: {  	s26 =	simm.s32 $execute0_lowered;
	[smem:$0x3FD2] =	sst s25  }
0xa7: {  	s6 =	sshll.u32 s26, $0x1;
	_ =	strace $0x80000046;
	[dreg:$0x1] =	wrdreg $0xFFFFFFFF  }
0xa8: {  	s28 =	simm.s32 $_size_execute0_lowered;
	s4 =	sadd.s32 s4, s6;
	[dreg:$0x0] =	wrdreg $0x0  }
0xa9: {  	s6 =	sshll.u32 s28, $0x1;
	[dreg:$0x2] =	wrdreg s4  }
0xaa: {  	[dreg:$0x3] =	wrdreg s6  }
0xab: {  	[dreg:$0x4] =	wrdreg $0xC0  }
0xac: {  	_ =	task [dreg:s8], $0x5FFFF  }
0xad: {  	[dreg:$0x1] =	wrdreg $0xFFFFFFFF  }
0xae: {  	[dreg:$0x0] =	wrdreg $0x60  }
0xaf: {  	[dreg:$0x2] =	wrdreg s2  }
0xb0: {  	[dreg:$0x3] =	wrdreg s24  }
0xb1: {  	[dreg:$0x4] =	wrdreg s18  }
0xb2: {  	[dreg:$0x5] =	wrdreg $0x9  }
0xb3: {  	_ =	task.clear_ibuf [dreg:s8], $0x6FFFF;
	_ =	strace $0x90000046  }
0xb4: {  	s29 =	simm.s32 $0x9;
	_ =	strace $0x80000048  }
0xb5: {  	_ =	swait.ge [sflag:s29], $0x1  }
0xb6: {  	[sflag:s29] =	ssyncadd.s32 $0xFFFFFFFF  }
0xb7: {  	_ =	strace $0x90000048  }
0xb8: {  	_ =	sfence  }
0xb9: {  	s30 =	sld [smem:$0x0];
	_ =	sdelay $0x2  }
0xba: {  	s31 =	sshll.u32 s1, $0xD;
	s1 =	sshrl.u32 s1, $0x2  }
0xbb: {  	s3 =	sand.u32 $0x4000, s31;
	s1 =	sadd.s32 s1, s30  }
0xbc: {  	s0 =	sor.u32 s3, s0;
	s1 =	sshll.u32 s1, $0x11  }
0xbd: {  	s0 =	sor.u32 s1, s0  }
0xbe: {  	s0 =	sadd.s32 $0x8F2B, s0  }
0xbf: {  	[sflag:s0] =	ssyncadd.remote.s32 $0x1  }
0xc0: {  	_ =	sfence.sel $0xFFFF  }
0xc1: {  	[dreg:$0x0] =	wrdreg $0xFFFFFFFF;
	(pc) =	sbr.abs _section_cstart, $3  }
0xc2: {  	[dreg:$0x1] =	wrdreg $0xFFFFFFFF  }
0xc3: {  	_ =	task.clear_ibuf [dreg:s8], $0x2FFFF;
	_ =	strace $0x9FFFFFFF  }
0xc4: {  	(tm) =	ssettm $0x7FFFFFFF  }
0xc5: {  	_ =	shalt  }
tec
execute0_lowered:
.L_overlay_start_1:
0x0: {  	(tag) =	ssettag $0x1  }
0x1: {  	s7 =	rddreg [dreg:$0x0]  }
0x2: {  	s6 =	rddreg [dreg:$0x1]  }
0x3: {  	s2 =	rddreg [dreg:$0x2];
	s4 =	srdreg.scid  }
0x4: {  	s3 =	simm.s32 $0x0;
	s1 =	stileid.u32;
	s11 =	simm.s32 $0x5  }
0x5: {  	s12 =	simm.s32 $0x6400;
	s13 =	simm.s32 $0x80;
	s14 =	simm.s32 $0x9600  }
0x6: {  	s15 =	simm.s32 $0xB600;
	s16 =	simm.s32 $0x1;
	s17 =	simm.s32 $0xD600  }
0x7: {  	s18 =	simm.s32 $0x2;
	s19 =	simm.s32 $0x4;
	s20 =	simm.s32 $0xF800  }
0x8: {  	s21 =	simm.s32 $0x3;
	s22 =	simm.s32 $0x0;
	s4 =	sand.u32 $0x1, s4  }
0x9: {  	[smem:$0x7FF] =	sst s3;
	s5 =	sshll.u32 s1, $0xB;
	s8 =	sshll.u32 s4, $0xA  }
0xa: {  	v0 =	vlaneseq.u32;
	_ =	strace $0x80000047;
	s9 =	ssub.s32 $0x2, s4;
	s4 =	sor.u32 s8, s5  }
0xb: {  	v0 =	vmul.u32 $0x88, v0;
	s5 =	sadd.s32 $0xC00, s6;
	s31 =	sshrl.u32 s9, $0x1;
	s6 =	sadd.s32 $0x400, s6  }
0xc: {  	s10 =	sshrl.u32 s4, $0x3;
	s8 =	ssub.s32 s9, s31;
	s9 =	simm.s32 $0x400  }
0xd: {  	v1 =	vadd.s32 $0x880, v0;
	v2 =	vadd.s32 $0x1100, v0;
	v3 =	vadd.s32 $0x1980, v0;
	s7 =	sadd.s32 s7, s10;
	s8 =	smax.u32 s8, $0x1;
	s10 =	simm.s32 $0x8000  }
.LBB2_1:
0xe: {  	[tilespmem:s3], [sflag:$0x5] =	stream.strided.gather [hbm4b:s7+s9], $0x6400, s10, s9, $0x38;
	[tilespmem:$0x11A00] =	vst v63  }
0xf: {  	_ =	swait.ge [sflag:s11], $0x6400  }
0x10: {  	[sflag:s11] =	ssyncset.done $0x0  }
0x11: {  	[sflag:s11] =	ssyncadd.s32 $0xFFFF9C00  }
0x12: {  	[tilespmem:s12], [sflag:$0x5] =	stream.linear.gather [hbm4b:s6+s3], $0x3200, $0x38;
	[tilespmem:$0x11A00] =	vst v63  }
0x13: {  	_ =	swait.ge [sflag:s11], $0x3200  }
0x14: {  	[sflag:s11] =	ssyncset.done $0x0  }
0x15: {  	s23 =	simm.s32 $0x0;
	[sflag:s11] =	ssyncadd.s32 $0xFFFFCE00  }
0x16: {  	[tilespmem:s14], [sflag:$0x1] =	stream.indirect.gather [hbm4b:s5+s13], $0x40, s3, s13, $0xb8;
	[tilespmem:$0x11A00] =	vst v63  }
.LBB2_2:
0x17: {  	s24 =	sshllo.u32 s23, $0x1  }
0x18: {  	s25 =	sshll.u32 s23, $0x8;
	s26 =	sshll.u32 s24, $0x7  }
0x19: {  	s28 =	sand.u32 $0x7C00, s25;
	s26 =	sand.u32 $0x380, s26  }
0x1a: {  	s26 =	sor.u32 s26, s28  }
0x1b: {  	[tilespmem:s15], [sflag:$0x2] =	stream.indirect.gather [hbm4b:s5+s13], $0x40, s26, s13, $0xb8;
	[tilespmem:$0x11A00] =	vst v63  }
0x1c: {  	_ =	swait.ge [sflag:s16], $0x2000  }
0x1d: {  	p0 =	seq.s32 s23, $0x0;
	[sflag:s16] =	ssyncset.done $0x0  }
0x1e: {  	s26 =	simm.s32 @!p0 $0x3;
	[sflag:s16] =	ssyncadd.s32 $0xFFFFE000  }
0x1f: {  	_ =	swait.ge @!p0 [sflag:s26], $0x2000  }
0x20: {  	s28 =	sshll.u32 s23, $0x7;
	[sflag:s26] =	ssyncset.done @!p0 $0x0  }
0x21: {  	s31 =	sand.u32 $0x3FFFFF80, s28;
	[sflag:s26] =	ssyncadd.s32 @!p0 $0xFFFFE000  }
0x22: {  	s30 =	simm.s32 $0x9680;
	s28 =	simm.s32 $0x3;
	v9 =	vld [tilespmem:s31+$0x6400]  }
0x23: {  	v4 =	vmov s28;
	v7 =	vld [tilespmem:s30+$0x40]  }
0x24: {  	v13 =	vand.u32 $0x7F, v4  }
0x25: {  	s28 =	simm.s32 $0x0;
	v8 =	vadd.s32 v0, v13;
	v6 =	vld [tilespmem:s31+$0x6410]  }
0x26: {  	s29 =	simm.s32 $0x2;
	v4 =	vmov s28;
	s28 =	simm.s32 $0x1;
	v10 =	vld [tilespmem:s30+$0xFFFFFF80]  }
0x27: {  	v14 =	vmov s29;
	v12 =	vand.u32 $0x7C, v4;
	v4 =	vmov s28;
	v11 =	vld [tilespmem:s30+$0xFFFFFFC0]  }
0x28: {  	v15 =	vadd.s32 v0, v12;
	v19 =	vand.u32 $0x7D, v4;
	v16 =	vld [tilespmem:s30+$0x0];
	v7 =	vadd.f32 v7, v9  }
0x29: {  	v20 =	vand.u32 $0x7E, v14;
	v17 =	vadd.s32 v0, v19;
	v5 =	vld [tilespmem:s31+$0x6420]  }
0x2a: {  	v14 =	vadd.s32 v0, v20;
	v4 =	vld [tilespmem:s31+$0x6430];
	[tilespmem:v8+s17+$0x0] =	vst.idx.msk $0xffff, v7  }
0x2b: {  	v7 =	vadd.f32 v10, v9;
	v8 =	vld [tilespmem:s30+$0x50]  }
0x2c: {  	v10 =	vadd.f32 v11, v9  }
0x2d: {  	v11 =	vadd.s32 v1, v13;
	[tilespmem:v15+s17+$0x0] =	vst.idx.msk $0xffff, v7;
	v7 =	vadd.f32 v16, v9  }
0x2e: {  	[tilespmem:v17+s17+$0x0] =	vst.idx.msk $0xffff, v10;
	v15 =	vld [tilespmem:s30+$0xFFFFFF90]  }
0x2f: {  	v10 =	vld [tilespmem:s30+$0xFFFFFFD0];
	[tilespmem:v14+s17+$0x0] =	vst.idx.msk $0xffff, v7  }
0x30: {  	v14 =	vld [tilespmem:s30+$0x10];
	v7 =	vadd.f32 v8, v6  }
0x31: {  	s29 =	simm.s32 $0x7;
	s26 =	simm.s32 $0x9780;
	v16 =	vadd.s32 v1, v19  }
0x32: {  	s28 =	simm.s32 $0x4;
	v26 =	vadd.s32 v2, v13;
	v18 =	vld [tilespmem:s26+$0x40];
	v17 =	vadd.s32 v1, v20;
	[tilespmem:v11+s17+$0x0] =	vst.idx.msk $0xffff, v7;
	v7 =	vmov s29  }
0x33: {  	v21 =	vadd.s32 v1, v12;
	v8 =	vmov s28;
	v7 =	vand.u32 $0x7F, v7;
	v22 =	vld [tilespmem:s30+$0x60]  }
0x34: {  	v23 =	vld [tilespmem:s26+$0xFFFFFF80];
	s28 =	simm.s32 $0x5;
	v8 =	vand.u32 $0x7C, v8;
	v10 =	vadd.f32 v10, v6;
	v24 =	vadd.s32 v0, v7  }
0x35: {  	v25 =	vld [tilespmem:s26+$0xFFFFFFC0];
	v15 =	vadd.f32 v15, v6;
	v11 =	vadd.f32 v14, v6;
	v14 =	vmov s28;
	s28 =	simm.s32 $0x6  }
0x36: {  	v27 =	vadd.s32 v0, v8;
	[tilespmem:v16+s17+$0x0] =	vst.idx.msk $0xffff, v10;
	v16 =	vmov s28;
	v10 =	vand.u32 $0x7D, v14;
	v14 =	vld [tilespmem:s26+$0x0]  }
0x37: {  	[tilespmem:v17+s17+$0x0] =	vst.idx.msk $0xffff, v11;
	v17 =	vadd.s32 v0, v10;
	v11 =	vand.u32 $0x7E, v16;
	v16 =	vadd.f32 v18, v9;
	v18 =	vld [tilespmem:s30+$0xFFFFFFE0]  }
0x38: {  	[tilespmem:v21+s17+$0x0] =	vst.idx.msk $0xffff, v15;
	v15 =	vadd.s32 v0, v11;
	v21 =	vld [tilespmem:s30+$0x20];
	v22 =	vadd.f32 v22, v5  }
0x39: {  	v23 =	vadd.f32 v23, v9;
	[tilespmem:v24+s17+$0x0] =	vst.idx.msk $0xffff, v16;
	v16 =	vld [tilespmem:s30+$0xFFFFFFA0];
	v24 =	vadd.s32 v2, v19  }
0x3a: {  	v29 =	vadd.s32 v2, v20;
	v25 =	vadd.f32 v25, v9;
	v28 =	vld [tilespmem:s26+$0x50];
	[tilespmem:v26+s17+$0x0] =	vst.idx.msk $0xffff, v22  }
0x3b: {  	[tilespmem:v27+s17+$0x0] =	vst.idx.msk $0xffff, v23;
	v23 =	vadd.s32 v2, v12;
	v14 =	vadd.f32 v14, v9;
	v26 =	vld [tilespmem:s30+$0x70]  }
0x3c: {  	v27 =	vld [tilespmem:s26+$0xFFFFFF90];
	[tilespmem:v17+s17+$0x0] =	vst.idx.msk $0xffff, v25;
	v25 =	vadd.s32 v1, v7;
	v18 =	vadd.f32 v18, v5  }
0x3d: {  	v31 =	vadd.s32 v3, v13;
	v30 =	vld [tilespmem:s26+$0xFFFFFFD0];
	[tilespmem:v15+s17+$0x0] =	vst.idx.msk $0xffff, v14;
	v14 =	vadd.f32 v21, v5  }
0x3e: {  	v22 =	vadd.s32 v1, v8;
	v17 =	vld [tilespmem:s26+$0x10];
	v13 =	vadd.f32 v16, v5;
	[tilespmem:v24+s17+$0x0] =	vst.idx.msk $0xffff, v18  }
0x3f: {  	s29 =	simm.s32 $0x8;
	v21 =	vadd.s32 v1, v10;
	[tilespmem:v29+s17+$0x0] =	vst.idx.msk $0xffff, v14;
	v18 =	vadd.f32 v28, v6;
	v16 =	vld [tilespmem:s30+$0xFFFFFFF0]  }
0x40: {  	v24 =	vmov s29;
	v14 =	vadd.s32 v1, v11;
	v15 =	vld [tilespmem:s30+$0x30];
	[tilespmem:v23+s17+$0x0] =	vst.idx.msk $0xffff, v13;
	v63 =	vadd.f32 v26, v4  }
0x41: {  	s31 =	simm.s32 $0xB;
	s28 =	simm.s32 $0x9880;
	v19 =	vadd.s32 v3, v19;
	v13 =	vand.u32 $0x7C, v24;
	v24 =	vadd.f32 v27, v6;
	[tilespmem:v25+s17+$0x0] =	vst.idx.msk $0xffff, v18;
	v18 =	vld [tilespmem:s30+$0xFFFFFFB0]  }
0x42: {  	v20 =	vadd.s32 v3, v20;
	v26 =	vmov s31;
	v23 =	vld [tilespmem:s28+$0x40];
	s30 =	simm.s32 $0xC;
	v25 =	vadd.f32 v30, v6;
	[tilespmem:v31+s17+$0x0] =	vst.idx.msk $0xffff, v63  }
.LBB2_3:
0x43: {  	p1 =	slt.u32 s30, $0x7C;
	s31 =	sadd.s32 $0x1, s29;
	v26 =	vand.u32 $0x7F, v26;
	[tilespmem:v22+s17+$0x0] =	vst.idx.msk $0xffff, v24;
	v17 =	vadd.f32 v17, v6;
	v22 =	vld [tilespmem:s26+$0x60];
	v24 =	vadd.s32 v3, v12  }
0x44: {  	v30 =	vmovc v11;
	v27 =	vld [tilespmem:s28+$0xFFFFFF80];
	v28 =	vmov s31;
	s31 =	sadd.s32 $0x2, s29;
	v29 =	vadd.s32 v0, v26;
	[tilespmem:v21+s17+$0x0] =	vst.idx.msk $0xffff, v25;
	v16 =	vadd.f32 v16, v4;
	s29 =	smov.u32 s30  }
0x45: {  	v12 =	vmovc v8;
	v21 =	vld [tilespmem:s28+$0xFFFFFFC0];
	v11 =	vmov s31;
	[tilespmem:v14+s17+$0x0] =	vst.idx.msk $0xffff, v17;
	v14 =	vadd.s32 v2, v7;
	v15 =	vadd.f32 v15, v4  }
0x46: {  	v17 =	vadd.s32 v0, v13;
	v28 =	vand.u32 $0x7D, v28;
	v25 =	vld [tilespmem:s28+$0x0];
	v31 =	vadd.f32 v18, v4;
	[tilespmem:v19+s17+$0x0] =	vst.idx.msk $0xffff, v16  }
0x47: {  	v16 =	vadd.s32 v0, v28;
	v11 =	vand.u32 $0x7E, v11;
	v18 =	vadd.f32 v23, v9;
	v19 =	vld [tilespmem:s26+$0xFFFFFFE0];
	[tilespmem:v20+s17+$0x0] =	vst.idx.msk $0xffff, v15  }
0x48: {  	v8 =	vmov v13;
	v15 =	vadd.s32 v0, v11;
	v20 =	vld [tilespmem:s26+$0x20];
	v22 =	vadd.f32 v22, v5;
	[tilespmem:v24+s17+$0x0] =	vst.idx.msk $0xffff, v31  }
0x49: {  	v23 =	vadd.s32 v2, v10;
	v13 =	vadd.f32 v27, v9;
	[tilespmem:v29+s17+$0x0] =	vst.idx.msk $0xffff, v18;
	v18 =	vld [tilespmem:s26+$0xFFFFFFA0]  }
0x4a: {  	v27 =	vadd.s32 v2, v30;
	v21 =	vadd.f32 v21, v9;
	v24 =	vld [tilespmem:s28+$0x50];
	[tilespmem:v14+s17+$0x0] =	vst.idx.msk $0xffff, v22  }
0x4b: {  	[tilespmem:v17+s17+$0x0] =	vst.idx.msk $0xffff, v13;
	v13 =	vadd.f32 v25, v9;
	v25 =	vadd.s32 v2, v12;
	v29 =	vld [tilespmem:s26+$0x70]  }
0x4c: {  	v32 =	vadd.s32 v1, v26;
	v31 =	vld [tilespmem:s28+$0xFFFFFF90];
	[tilespmem:v16+s17+$0x0] =	vst.idx.msk $0xffff, v21;
	v14 =	vadd.f32 v19, v5  }
0x4d: {  	v34 =	vadd.s32 v3, v7;
	v7 =	vmov v26;
	v33 =	vld [tilespmem:s28+$0xFFFFFFD0];
	[tilespmem:v15+s17+$0x0] =	vst.idx.msk $0xffff, v13;
	v13 =	vadd.f32 v20, v5  }
.Ltmp0:
0x4e: {  	v22 =	vadd.s32 v1, v8;
	v17 =	vld [tilespmem:s28+$0x10];
	v15 =	vadd.f32 v18, v5;
	[tilespmem:v23+s17+$0x0] =	vst.idx.msk $0xffff, v14;
	(pc) =	sbr.rel @p1 .LBB2_3-.Ltmp0, $4  }
0x4f: {  	v21 =	vadd.s32 v1, v28;
	v18 =	vadd.f32 v24, v6;
	v16 =	vld [tilespmem:s26+$0xFFFFFFF0];
	[tilespmem:v27+s17+$0x0] =	vst.idx.msk $0xffff, v13  }
0x50: {  	v14 =	vadd.s32 v1, v11;
	v13 =	vmov s30;
	[tilespmem:v25+s17+$0x0] =	vst.idx.msk $0xffff, v15;
	v15 =	vld [tilespmem:s26+$0x30];
	v27 =	vadd.f32 v29, v4  }
0x51: {  	s31 =	sadd.s32 $0x3, s30;
	v19 =	vadd.s32 v3, v10;
	v13 =	vand.u32 $0x7C, v13;
	v24 =	vadd.f32 v31, v6;
	[tilespmem:v32+s17+$0x0] =	vst.idx.msk $0xffff, v18;
	v18 =	vld [tilespmem:s26+$0xFFFFFFB0];
	s26 =	smov.u32 s28;
	s28 =	sadd.s32 $0x100, s28  }
0x52: {  	v26 =	vmov s31;
	v10 =	vmovc v28;
	v20 =	vadd.s32 v3, v30;
	s30 =	sadd.s32 $0x4, s30;
	v23 =	vld [tilespmem:s28+$0x40];
	v25 =	vadd.f32 v33, v6;
	[tilespmem:v34+s17+$0x0] =	vst.idx.msk $0xffff, v27  }
0x53: {  	s30 =	sadd.s32 $0x1, s29  }
0x54: {  	v26 =	vand.u32 $0x7F, v26;
	s29 =	sadd.s32 $0x2, s29;
	v28 =	vld [tilespmem:s28+$0xFFFFFFC0];
	v27 =	vmov s30  }
0x55: {  	v31 =	vld [tilespmem:s28+$0x0];
	v29 =	vadd.s32 v0, v26;
	v30 =	vmov s29;
	v27 =	vand.u32 $0x7D, v27  }
0x56: {  	v32 =	vld [tilespmem:s28+$0xFFFFFF80];
	v30 =	vand.u32 $0x7E, v30;
	v33 =	vadd.s32 v0, v27  }
0x57: {  	v34 =	vadd.s32 v0, v30  }
0x58: {  	[tilespmem:v22+s17+$0x0] =	vst.idx.msk $0xffff, v24;
	v44 =	vadd.s32 v0, v13;
	v23 =	vadd.f32 v23, v9  }
0x59: {  	[tilespmem:v21+s17+$0x0] =	vst.idx.msk $0xffff, v25;
	v45 =	vadd.f32 v28, v9  }
0x5a: {  	v46 =	vadd.f32 v31, v9;
	[tilespmem:v29+s17+$0x0] =	vst.idx.msk $0xffff, v23  }
0x5b: {  	v47 =	vadd.f32 v32, v9;
	v48 =	vld [tilespmem:s28+$0x50];
	[tilespmem:v33+s17+$0x0] =	vst.idx.msk $0xffff, v45  }
0x5c: {  	v17 =	vadd.f32 v17, v6;
	v12 =	vadd.s32 v3, v12;
	[tilespmem:v34+s17+$0x0] =	vst.idx.msk $0xffff, v46;
	v21 =	vld [tilespmem:s28+$0xFFFFFFD0]  }
0x5d: {  	v16 =	vadd.f32 v16, v4;
	v49 =	vadd.s32 v1, v26;
	[tilespmem:v44+s17+$0x0] =	vst.idx.msk $0xffff, v47;
	v50 =	vld [tilespmem:s28+$0x10]  }
0x5e: {  	[tilespmem:v14+s17+$0x0] =	vst.idx.msk $0xffff, v17;
	v51 =	vadd.f32 v15, v4;
	v53 =	vadd.s32 v1, v27;
	v52 =	vld [tilespmem:s28+$0xFFFFFF90]  }
0x5f: {  	v54 =	vld [tilespmem:s26+$0x60];
	v18 =	vadd.f32 v18, v4;
	[tilespmem:v19+s17+$0x0] =	vst.idx.msk $0xffff, v16;
	v55 =	vadd.s32 v1, v30  }
0x60: {  	v57 =	vadd.s32 v1, v13;
	v60 =	vld [tilespmem:s26+$0x20];
	[tilespmem:v20+s17+$0x0] =	vst.idx.msk $0xffff, v51;
	v58 =	vadd.f32 v48, v6  }
0x61: {  	v59 =	vadd.s32 v2, v7;
	v56 =	vld [tilespmem:s26+$0xFFFFFFE0];
	[tilespmem:v12+s17+$0x0] =	vst.idx.msk $0xffff, v18;
	v61 =	vadd.f32 v21, v6  }
0x62: {  	v62 =	vld [tilespmem:s26+$0xFFFFFFA0];
	v29 =	vadd.s32 v2, v11;
	[tilespmem:v49+s17+$0x0] =	vst.idx.msk $0xffff, v58;
	v28 =	vadd.f32 v50, v6  }
0x63: {  	v63 =	vadd.s32 v2, v10;
	v31 =	vadd.f32 v52, v6;
	v32 =	vld [tilespmem:s28+$0x60];
	[tilespmem:v53+s17+$0x0] =	vst.idx.msk $0xffff, v61  }
0x64: {  	v33 =	vadd.f32 v54, v5;
	v34 =	vadd.s32 v2, v8;
	[tilespmem:v55+s17+$0x0] =	vst.idx.msk $0xffff, v28;
	v35 =	vld [tilespmem:s28+$0xFFFFFFE0]  }
0x65: {  	v37 =	vadd.s32 v2, v26;
	v39 =	vadd.f32 v60, v5;
	[tilespmem:v57+s17+$0x0] =	vst.idx.msk $0xffff, v31;
	v38 =	vld [tilespmem:s28+$0x20]  }
0x66: {  	v41 =	vadd.s32 v2, v27;
	v36 =	vadd.f32 v56, v5;
	[tilespmem:v59+s17+$0x0] =	vst.idx.msk $0xffff, v33;
	v40 =	vld [tilespmem:s28+$0xFFFFFFA0]  }
0x67: {  	v43 =	vadd.s32 v2, v30;
	v18 =	vadd.f32 v62, v5;
	v42 =	vld [tilespmem:s26+$0x70];
	[tilespmem:v29+s17+$0x0] =	vst.idx.msk $0xffff, v39  }
0x68: {  	v45 =	vadd.s32 v2, v13;
	[tilespmem:v63+s17+$0x0] =	vst.idx.msk $0xffff, v36;
	v47 =	vld [tilespmem:s26+$0x30];
	v44 =	vadd.f32 v32, v5  }
0x69: {  	v46 =	vadd.s32 v3, v7;
	[tilespmem:v34+s17+$0x0] =	vst.idx.msk $0xffff, v18;
	v21 =	vld [tilespmem:s26+$0xFFFFFFF0];
	v9 =	vadd.f32 v35, v5  }
0x6a: {  	v18 =	vld [tilespmem:s26+$0xFFFFFFB0];
	v50 =	vadd.s32 v3, v11;
	[tilespmem:v37+s17+$0x0] =	vst.idx.msk $0xffff, v44;
	v49 =	vadd.f32 v38, v5  }
0x6b: {  	v48 =	vadd.s32 v3, v10;
	v5 =	vadd.f32 v40, v5;
	v12 =	vld [tilespmem:s28+$0x70];
	[tilespmem:v41+s17+$0x0] =	vst.idx.msk $0xffff, v9  }
0x6c: {  	v52 =	vadd.s32 v3, v8;
	v51 =	vadd.f32 v42, v4;
	[tilespmem:v43+s17+$0x0] =	vst.idx.msk $0xffff, v49;
	v53 =	vld [tilespmem:s28+$0xFFFFFFF0]  }
0x6d: {  	v55 =	vadd.s32 v3, v26;
	v56 =	vadd.f32 v47, v4;
	[tilespmem:v45+s17+$0x0] =	vst.idx.msk $0xffff, v5;
	v5 =	vld [tilespmem:s28+$0x30]  }
0x6e: {  	v58 =	vadd.s32 v3, v27;
	[tilespmem:v46+s17+$0x0] =	vst.idx.msk $0xffff, v51;
	v54 =	vadd.f32 v21, v4;
	v57 =	vld [tilespmem:s28+$0xFFFFFFB0]  }
0x6f: {  	v60 =	vadd.s32 v3, v30;
	v59 =	vadd.f32 v18, v4;
	[tilespmem:v50+s17+$0x0] =	vst.idx.msk $0xffff, v56  }
0x70: {  	v62 =	vadd.s32 v3, v13;
	[tilespmem:v48+s17+$0x0] =	vst.idx.msk $0xffff, v54;
	v61 =	vadd.f32 v12, v4  }
0x71: {  	[tilespmem:v52+s17+$0x0] =	vst.idx.msk $0xffff, v59;
	v63 =	vadd.f32 v53, v4  }
0x72: {  	s0 =	sshll.u32 s23, $0x13;
	[tilespmem:v55+s17+$0x0] =	vst.idx.msk $0xffff, v61;
	v5 =	vadd.f32 v5, v4  }
0x73: {  	s26 =	sor.u32 s4, s0;
	v4 =	vadd.f32 v57, v4;
	[tilespmem:v58+s17+$0x0] =	vst.idx.msk $0xffff, v63  }
0x74: {  	s26 =	sshrl.u32 s26, $0x3;
	[tilespmem:v60+s17+$0x0] =	vst.idx.msk $0xffff, v5  }
0x75: {  	s0 =	simm.s32 $0xD600;
	s28 =	sadd.s32 s2, s26;
	[tilespmem:v62+s17+$0x0] =	vst.idx.msk $0xffff, v4  }
0x76: {  	[hbm4b:s28+s3] =	stream.linear.scatter [tilespmem:s0], [sflag:$0x3], $0x80, $0x38;
	[tilespmem:$0x11A00] =	vst v63  }
0x77: {  	s29 =	sadd.s32 $0x10, s28;
	s0 =	simm.s32 $0xD688  }
0x78: {  	[hbm4b:s29+s3] =	stream.linear.scatter [tilespmem:s0], [sflag:$0x3], $0x80, $0x38;
	[tilespmem:$0x11A00] =	vst v63  }
0x79: {  	s0 =	simm.s32 $0xD710;
	s29 =	sadd.s32 $0x20, s28  }
0x7a: {  	[hbm4b:s29+s3] =	stream.linear.scatter [tilespmem:s0], [sflag:$0x3], $0x80, $0x38;
	[tilespmem:$0x11A00] =	vst v63  }
0x7b: {  	s0 =	simm.s32 $0xD798;
	s29 =	sadd.s32 $0x30, s28  }
0x7c: {  	[hbm4b:s29+s3] =	stream.linear.scatter [tilespmem:s0], [sflag:$0x3], $0x80, $0x38;
	[tilespmem:$0x11A00] =	vst v63  }
0x7d: {  	s0 =	simm.s32 $0xD820;
	s29 =	sadd.s32 $0x40, s28  }
0x7e: {  	[hbm4b:s29+s3] =	stream.linear.scatter [tilespmem:s0], [sflag:$0x3], $0x80, $0x38;
	[tilespmem:$0x11A00] =	vst v63  }
0x7f: {  	s30 =	simm.s32 $0xD9B8;
	s0 =	simm.s32 $0xD8A8;
	s29 =	sadd.s32 $0x50, s28  }
0x80: {  	[hbm4b:s29+s3] =	stream.linear.scatter [tilespmem:s0], [sflag:$0x3], $0x80, $0x38;
	[tilespmem:$0x11A00] =	vst v63  }
0x81: {  	s26 =	simm.s32 $0x440;
	s0 =	simm.s32 $0xD930;
	s29 =	sadd.s32 $0x60, s28  }
0x82: {  	[hbm4b:s29+s3] =	stream.linear.scatter [tilespmem:s0], [sflag:$0x3], $0x80, $0x38;
	[tilespmem:$0x11A00] =	vst v63  }
0x83: {  	s31 =	sadd.s32 $0x70, s28;
	s28 =	sadd.s32 $0x1000, s28;
	s29 =	simm.s32 $0x2200  }
.LBB2_5:
0x84: {  	[hbm4b:s31+s3] =	stream.linear.scatter [tilespmem:s30], [sflag:$0x3], $0x80, $0x38;
	[tilespmem:$0x11A00] =	vst v63  }
0x85: {  	s30 =	smov.u32 s26;
	s26 =	smov.u32 s29  }
0x86: {  	s0 =	sadd.s32 $0x1100, s29;
	s26 =	sshra.s32 s26, $0x2;
	s31 =	sadd.s32 $0xD600, s30  }
0x87: {  	[hbm4b:s28+s3] =	stream.linear.scatter [tilespmem:s31], [sflag:$0x3], $0x80, $0x38;
	[tilespmem:$0x11A00] =	vst v63  }
0x88: {  	p1 =	sne.s32 s29, $0x7700;
	s29 =	sadd.s32 $0xD688, s30;
	s31 =	sadd.s32 $0x10, s28  }
0x89: {  	[hbm4b:s31+s3] =	stream.linear.scatter [tilespmem:s29], [sflag:$0x3], $0x80, $0x38;
	[tilespmem:$0x11A00] =	vst v63  }
0x8a: {  	s29 =	sadd.s32 $0xD710, s30;
	s31 =	sadd.s32 $0x20, s28  }
0x8b: {  	[hbm4b:s31+s3] =	stream.linear.scatter [tilespmem:s29], [sflag:$0x3], $0x80, $0x38;
	[tilespmem:$0x11A00] =	vst v63  }
0x8c: {  	s29 =	sadd.s32 $0xD798, s30;
	s31 =	sadd.s32 $0x30, s28  }
0x8d: {  	[hbm4b:s31+s3] =	stream.linear.scatter [tilespmem:s29], [sflag:$0x3], $0x80, $0x38;
	[tilespmem:$0x11A00] =	vst v63  }
0x8e: {  	s29 =	sadd.s32 $0xD820, s30;
	s31 =	sadd.s32 $0x40, s28  }
0x8f: {  	[hbm4b:s31+s3] =	stream.linear.scatter [tilespmem:s29], [sflag:$0x3], $0x80, $0x38;
	[tilespmem:$0x11A00] =	vst v63  }
.Ltmp1:
0x90: {  	s29 =	sadd.s32 $0xD8A8, s30;
	s31 =	sadd.s32 $0x50, s28;
	(pc) =	sbr.rel @p1 .LBB2_5-.Ltmp1, $4  }
0x91: {  	[hbm4b:s31+s3] =	stream.linear.scatter [tilespmem:s29], [sflag:$0x3], $0x80, $0x38;
	[tilespmem:$0x11A00] =	vst v63  }
0x92: {  	s29 =	sadd.s32 $0xD930, s30;
	s31 =	sadd.s32 $0x60, s28;
	s30 =	sadd.s32 $0xD9B8, s30  }
0x93: {  	[hbm4b:s31+s3] =	stream.linear.scatter [tilespmem:s29], [sflag:$0x3], $0x80, $0x38;
	[tilespmem:$0x11A00] =	vst v63  }
0x94: {  	s31 =	sadd.s32 $0x70, s28;
	s28 =	sadd.s32 $0x1000, s28;
	s29 =	smov.u32 s0  }
0x95: {  	[hbm4b:s31+s3] =	stream.linear.scatter [tilespmem:s30], [sflag:$0x3], $0x80, $0x38;
	[tilespmem:$0x11A00] =	vst v63  }
0x96: {  	s0 =	sadd.s32 $0xD600, s26  }
0x97: {  	[hbm4b:s28+s3] =	stream.linear.scatter [tilespmem:s0], [sflag:$0x3], $0x80, $0x38;
	[tilespmem:$0x11A00] =	vst v63  }
0x98: {  	s31 =	sadd.s32 $0xD688, s26;
	s29 =	sadd.s32 $0x10, s28  }
0x99: {  	[hbm4b:s29+s3] =	stream.linear.scatter [tilespmem:s31], [sflag:$0x3], $0x80, $0x38;
	[tilespmem:$0x11A00] =	vst v63  }
0x9a: {  	s30 =	sadd.s32 $0xD710, s26;
	s31 =	sadd.s32 $0x20, s28  }
0x9b: {  	[hbm4b:s31+s3] =	stream.linear.scatter [tilespmem:s30], [sflag:$0x3], $0x80, $0x38;
	[tilespmem:$0x11A00] =	vst v63  }
0x9c: {  	s30 =	sadd.s32 $0xD798, s26;
	s31 =	sadd.s32 $0x30, s28  }
0x9d: {  	[hbm4b:s31+s3] =	stream.linear.scatter [tilespmem:s30], [sflag:$0x3], $0x80, $0x38;
	[tilespmem:$0x11A00] =	vst v63  }
0x9e: {  	s30 =	sadd.s32 $0xD820, s26;
	s31 =	sadd.s32 $0x40, s28  }
0x9f: {  	[hbm4b:s31+s3] =	stream.linear.scatter [tilespmem:s30], [sflag:$0x3], $0x80, $0x38;
	[tilespmem:$0x11A00] =	vst v63  }
0xa0: {  	p1 =	sne.s32 s23, $0x63;
	s30 =	sadd.s32 $0xD8A8, s26;
	s31 =	sadd.s32 $0x50, s28  }
0xa1: {  	[hbm4b:s31+s3] =	stream.linear.scatter [tilespmem:s30], [sflag:$0x3], $0x80, $0x38;
	[tilespmem:$0x11A00] =	vst v63  }
.Ltmp2:
0xa2: {  	_ = 	snop;
	(pc) =	sbr.rel @p1 .LBB2_8-.Ltmp2, $4  }
0xa3: {  	s30 =	sadd.s32 $0xD930, s26;
	s31 =	sadd.s32 $0x60, s28  }
0xa4: {  	[hbm4b:s31+s3] =	stream.linear.scatter [tilespmem:s30], [sflag:$0x3], $0x80, $0x38;
	[tilespmem:$0x11A00] =	vst v63  }
0xa5: {  	s30 =	sadd.s32 $0xD9B8, s26;
	s31 =	sadd.s32 $0x70, s28  }
0xa6: {  	[hbm4b:s31+s3] =	stream.linear.scatter [tilespmem:s30], [sflag:$0x3], $0x80, $0x38;
	[tilespmem:$0x11A00] =	vst v63  }
.Ltmp3:
0xa7: {  	(pc) =	sbr.rel .LBB2_9-.Ltmp3, $4  }
0xa8: {  	_ = 	snop  }
0xa9: {  	_ =	swait.ge [sflag:s18], $0x2000  }
0xaa: {  	[sflag:s18] =	ssyncset.done $0x0  }
0xab: {  	[sflag:s18] =	ssyncadd.s32 $0xFFFFE000  }
.LBB2_8:
0xac: {  	s0 =	sadd.s32 $0x100, s25  }
.Ltmp4:
0xad: {  	s0 =	sand.u32 $0xFF00, s0;
	(pc) =	sbr.rel @p0 .LBB2_10-.Ltmp4, $4  }
0xae: {  	[tilespmem:s14], [sflag:$0x1] =	stream.indirect.gather [hbm4b:s5+s13], $0x40, s0, s13, $0xb8;
	[tilespmem:$0x11A00] =	vst v63  }
0xaf: {  	_ =	swait.ge [sflag:s18], $0x2000  }
0xb0: {  	[sflag:s18] =	ssyncset.done $0x0  }
0xb1: {  	[sflag:s18] =	ssyncadd.s32 $0xFFFFE000  }
.LBB2_9:
0xb2: {  	_ =	swait.ge [sflag:s19], $0x2000  }
0xb3: {  	[sflag:s19] =	ssyncset.done $0x0  }
0xb4: {  	[sflag:s19] =	ssyncadd.s32 $0xFFFFE000  }
.LBB2_10:
0xb5: {  	s0 =	sshll.u32 s24, $0x6;
	s29 =	simm.s32 $0xB680  }
0xb6: {  	s25 =	simm.s32 $0x3;
	s0 =	sand.u32 $0x3FFFFFC0, s0;
	v7 =	vld [tilespmem:s29+$0x40]  }
0xb7: {  	v4 =	vmov s25;
	v9 =	vld [tilespmem:s0+$0x6400]  }
0xb8: {  	v13 =	vand.u32 $0x7F, v4  }
0xb9: {  	s30 =	simm.s32 $0x0;
	v10 =	vld [tilespmem:s29+$0xFFFFFF80];
	v8 =	vadd.s32 v0, v13  }
0xba: {  	s31 =	simm.s32 $0x1;
	s26 =	simm.s32 $0x2;
	v11 =	vld [tilespmem:s29+$0xFFFFFFC0];
	v4 =	vmov s30  }
0xbb: {  	v14 =	vmov s26;
	v16 =	vld [tilespmem:s29+$0x0];
	v12 =	vand.u32 $0x7C, v4;
	v4 =	vmov s31  }
0xbc: {  	v6 =	vld [tilespmem:s0+$0x6410];
	v15 =	vadd.s32 v0, v12;
	v19 =	vand.u32 $0x7D, v4;
	v7 =	vadd.f32 v7, v9  }
0xbd: {  	v5 =	vld [tilespmem:s0+$0x6420];
	v20 =	vand.u32 $0x7E, v14;
	v17 =	vadd.s32 v0, v19  }
0xbe: {  	v14 =	vadd.s32 v0, v20;
	v4 =	vld [tilespmem:s0+$0x6430];
	[tilespmem:v8+s20+$0x0] =	vst.idx.msk $0xffff, v7  }
0xbf: {  	v7 =	vadd.f32 v10, v9;
	v8 =	vld [tilespmem:s29+$0x50]  }
0xc0: {  	v10 =	vadd.f32 v11, v9  }
0xc1: {  	v11 =	vadd.s32 v1, v13;
	[tilespmem:v15+s20+$0x0] =	vst.idx.msk $0xffff, v7;
	v7 =	vadd.f32 v16, v9  }
0xc2: {  	[tilespmem:v17+s20+$0x0] =	vst.idx.msk $0xffff, v10;
	v15 =	vld [tilespmem:s29+$0xFFFFFF90]  }
0xc3: {  	v10 =	vld [tilespmem:s29+$0xFFFFFFD0];
	[tilespmem:v14+s20+$0x0] =	vst.idx.msk $0xffff, v7  }
0xc4: {  	v14 =	vld [tilespmem:s29+$0x10];
	v7 =	vadd.f32 v8, v6  }
0xc5: {  	s25 =	simm.s32 $0xB780;
	s31 =	simm.s32 $0x7;
	v16 =	vadd.s32 v1, v19  }
0xc6: {  	s30 =	simm.s32 $0x4;
	v18 =	vld [tilespmem:s25+$0x40];
	v26 =	vadd.s32 v2, v13;
	v17 =	vadd.s32 v1, v20;
	[tilespmem:v11+s20+$0x0] =	vst.idx.msk $0xffff, v7;
	v7 =	vmov s31  }
0xc7: {  	v21 =	vadd.s32 v1, v12;
	v8 =	vmov s30;
	v7 =	vand.u32 $0x7F, v7;
	v22 =	vld [tilespmem:s29+$0x60]  }
0xc8: {  	s26 =	simm.s32 $0x5;
	v23 =	vld [tilespmem:s25+$0xFFFFFF80];
	v8 =	vand.u32 $0x7C, v8;
	v10 =	vadd.f32 v10, v6;
	v24 =	vadd.s32 v0, v7  }
0xc9: {  	v25 =	vld [tilespmem:s25+$0xFFFFFFC0];
	s30 =	simm.s32 $0x6;
	v15 =	vadd.f32 v15, v6;
	v11 =	vadd.f32 v14, v6;
	v14 =	vmov s26  }
0xca: {  	v27 =	vadd.s32 v0, v8;
	[tilespmem:v16+s20+$0x0] =	vst.idx.msk $0xffff, v10;
	v16 =	vmov s30;
	v10 =	vand.u32 $0x7D, v14;
	v14 =	vld [tilespmem:s25+$0x0]  }
0xcb: {  	[tilespmem:v17+s20+$0x0] =	vst.idx.msk $0xffff, v11;
	v17 =	vadd.s32 v0, v10;
	v11 =	vand.u32 $0x7E, v16;
	v16 =	vadd.f32 v18, v9;
	v18 =	vld [tilespmem:s29+$0xFFFFFFE0]  }
0xcc: {  	[tilespmem:v21+s20+$0x0] =	vst.idx.msk $0xffff, v15;
	v15 =	vadd.s32 v0, v11;
	v21 =	vld [tilespmem:s29+$0x20];
	v22 =	vadd.f32 v22, v5  }
0xcd: {  	v23 =	vadd.f32 v23, v9;
	[tilespmem:v24+s20+$0x0] =	vst.idx.msk $0xffff, v16;
	v16 =	vld [tilespmem:s29+$0xFFFFFFA0];
	v24 =	vadd.s32 v2, v19  }
0xce: {  	v29 =	vadd.s32 v2, v20;
	v25 =	vadd.f32 v25, v9;
	v28 =	vld [tilespmem:s25+$0x50];
	[tilespmem:v26+s20+$0x0] =	vst.idx.msk $0xffff, v22  }
0xcf: {  	[tilespmem:v27+s20+$0x0] =	vst.idx.msk $0xffff, v23;
	v23 =	vadd.s32 v2, v12;
	v14 =	vadd.f32 v14, v9;
	v26 =	vld [tilespmem:s29+$0x70]  }
0xd0: {  	v27 =	vld [tilespmem:s25+$0xFFFFFF90];
	[tilespmem:v17+s20+$0x0] =	vst.idx.msk $0xffff, v25;
	v25 =	vadd.s32 v1, v7;
	v18 =	vadd.f32 v18, v5  }
0xd1: {  	v31 =	vadd.s32 v3, v13;
	v30 =	vld [tilespmem:s25+$0xFFFFFFD0];
	[tilespmem:v15+s20+$0x0] =	vst.idx.msk $0xffff, v14;
	v14 =	vadd.f32 v21, v5  }
0xd2: {  	v22 =	vadd.s32 v1, v8;
	v17 =	vld [tilespmem:s25+$0x10];
	v13 =	vadd.f32 v16, v5;
	[tilespmem:v24+s20+$0x0] =	vst.idx.msk $0xffff, v18  }
0xd3: {  	s28 =	simm.s32 $0x8;
	v21 =	vadd.s32 v1, v10;
	[tilespmem:v29+s20+$0x0] =	vst.idx.msk $0xffff, v14;
	v18 =	vadd.f32 v28, v6;
	v16 =	vld [tilespmem:s29+$0xFFFFFFF0]  }
0xd4: {  	v24 =	vmov s28;
	v14 =	vadd.s32 v1, v11;
	v15 =	vld [tilespmem:s29+$0x30];
	[tilespmem:v23+s20+$0x0] =	vst.idx.msk $0xffff, v13;
	v63 =	vadd.f32 v26, v4  }
0xd5: {  	s31 =	simm.s32 $0xB;
	s26 =	simm.s32 $0xB880;
	v19 =	vadd.s32 v3, v19;
	v13 =	vand.u32 $0x7C, v24;
	v24 =	vadd.f32 v27, v6;
	[tilespmem:v25+s20+$0x0] =	vst.idx.msk $0xffff, v18;
	v18 =	vld [tilespmem:s29+$0xFFFFFFB0]  }
0xd6: {  	v20 =	vadd.s32 v3, v20;
	v26 =	vmov s31;
	v23 =	vld [tilespmem:s26+$0x40];
	s29 =	simm.s32 $0xC;
	v25 =	vadd.f32 v30, v6;
	[tilespmem:v31+s20+$0x0] =	vst.idx.msk $0xffff, v63  }
.LBB2_11:
0xd7: {  	p0 =	slt.u32 s29, $0x7C;
	s0 =	sadd.s32 $0x1, s28;
	v26 =	vand.u32 $0x7F, v26;
	[tilespmem:v22+s20+$0x0] =	vst.idx.msk $0xffff, v24;
	v17 =	vadd.f32 v17, v6;
	v22 =	vld [tilespmem:s25+$0x60];
	v24 =	vadd.s32 v3, v12  }
0xd8: {  	v30 =	vmovc v11;
	v27 =	vld [tilespmem:s26+$0xFFFFFF80];
	v28 =	vmov s0;
	s0 =	sadd.s32 $0x2, s28;
	v29 =	vadd.s32 v0, v26;
	[tilespmem:v21+s20+$0x0] =	vst.idx.msk $0xffff, v25;
	v16 =	vadd.f32 v16, v4;
	s28 =	smov.u32 s29  }
0xd9: {  	v12 =	vmovc v8;
	v21 =	vld [tilespmem:s26+$0xFFFFFFC0];
	v11 =	vmov s0;
	[tilespmem:v14+s20+$0x0] =	vst.idx.msk $0xffff, v17;
	v14 =	vadd.s32 v2, v7;
	v15 =	vadd.f32 v15, v4  }
0xda: {  	v17 =	vadd.s32 v0, v13;
	v28 =	vand.u32 $0x7D, v28;
	v25 =	vld [tilespmem:s26+$0x0];
	v31 =	vadd.f32 v18, v4;
	[tilespmem:v19+s20+$0x0] =	vst.idx.msk $0xffff, v16  }
0xdb: {  	v16 =	vadd.s32 v0, v28;
	v11 =	vand.u32 $0x7E, v11;
	v18 =	vadd.f32 v23, v9;
	v19 =	vld [tilespmem:s25+$0xFFFFFFE0];
	[tilespmem:v20+s20+$0x0] =	vst.idx.msk $0xffff, v15  }
0xdc: {  	v8 =	vmov v13;
	v15 =	vadd.s32 v0, v11;
	v20 =	vld [tilespmem:s25+$0x20];
	v22 =	vadd.f32 v22, v5;
	[tilespmem:v24+s20+$0x0] =	vst.idx.msk $0xffff, v31  }
0xdd: {  	v23 =	vadd.s32 v2, v10;
	v13 =	vadd.f32 v27, v9;
	[tilespmem:v29+s20+$0x0] =	vst.idx.msk $0xffff, v18;
	v18 =	vld [tilespmem:s25+$0xFFFFFFA0]  }
0xde: {  	v27 =	vadd.s32 v2, v30;
	v21 =	vadd.f32 v21, v9;
	v24 =	vld [tilespmem:s26+$0x50];
	[tilespmem:v14+s20+$0x0] =	vst.idx.msk $0xffff, v22  }
0xdf: {  	[tilespmem:v17+s20+$0x0] =	vst.idx.msk $0xffff, v13;
	v13 =	vadd.f32 v25, v9;
	v25 =	vadd.s32 v2, v12;
	v29 =	vld [tilespmem:s25+$0x70]  }
0xe0: {  	v32 =	vadd.s32 v1, v26;
	v31 =	vld [tilespmem:s26+$0xFFFFFF90];
	[tilespmem:v16+s20+$0x0] =	vst.idx.msk $0xffff, v21;
	v14 =	vadd.f32 v19, v5  }
0xe1: {  	v34 =	vadd.s32 v3, v7;
	v7 =	vmov v26;
	v33 =	vld [tilespmem:s26+$0xFFFFFFD0];
	[tilespmem:v15+s20+$0x0] =	vst.idx.msk $0xffff, v13;
	v13 =	vadd.f32 v20, v5  }
.Ltmp5:
0xe2: {  	v22 =	vadd.s32 v1, v8;
	v17 =	vld [tilespmem:s26+$0x10];
	v15 =	vadd.f32 v18, v5;
	[tilespmem:v23+s20+$0x0] =	vst.idx.msk $0xffff, v14;
	(pc) =	sbr.rel @p0 .LBB2_11-.Ltmp5, $4  }
0xe3: {  	v21 =	vadd.s32 v1, v28;
	v18 =	vadd.f32 v24, v6;
	v16 =	vld [tilespmem:s25+$0xFFFFFFF0];
	[tilespmem:v27+s20+$0x0] =	vst.idx.msk $0xffff, v13  }
0xe4: {  	v14 =	vadd.s32 v1, v11;
	v13 =	vmov s29;
	[tilespmem:v25+s20+$0x0] =	vst.idx.msk $0xffff, v15;
	v15 =	vld [tilespmem:s25+$0x30];
	v27 =	vadd.f32 v29, v4  }
0xe5: {  	s0 =	sadd.s32 $0x3, s29;
	v19 =	vadd.s32 v3, v10;
	v13 =	vand.u32 $0x7C, v13;
	v24 =	vadd.f32 v31, v6;
	[tilespmem:v32+s20+$0x0] =	vst.idx.msk $0xffff, v18;
	v18 =	vld [tilespmem:s25+$0xFFFFFFB0];
	s25 =	smov.u32 s26;
	s26 =	sadd.s32 $0x100, s26  }
0xe6: {  	v26 =	vmov s0;
	v10 =	vmovc v28;
	v20 =	vadd.s32 v3, v30;
	s29 =	sadd.s32 $0x4, s29;
	v23 =	vld [tilespmem:s26+$0x40];
	v25 =	vadd.f32 v33, v6;
	[tilespmem:v34+s20+$0x0] =	vst.idx.msk $0xffff, v27  }
0xe7: {  	s0 =	sadd.s32 $0x1, s28  }
0xe8: {  	v26 =	vand.u32 $0x7F, v26;
	s31 =	sadd.s32 $0x2, s28;
	v28 =	vld [tilespmem:s26+$0xFFFFFFC0];
	v27 =	vmov s0  }
0xe9: {  	v31 =	vld [tilespmem:s26+$0x0];
	v29 =	vadd.s32 v0, v26;
	v30 =	vmov s31;
	v27 =	vand.u32 $0x7D, v27  }
0xea: {  	v32 =	vld [tilespmem:s26+$0xFFFFFF80];
	v30 =	vand.u32 $0x7E, v30;
	v33 =	vadd.s32 v0, v27  }
0xeb: {  	v34 =	vadd.s32 v0, v30  }
0xec: {  	[tilespmem:v22+s20+$0x0] =	vst.idx.msk $0xffff, v24;
	v44 =	vadd.s32 v0, v13;
	v23 =	vadd.f32 v23, v9  }
0xed: {  	[tilespmem:v21+s20+$0x0] =	vst.idx.msk $0xffff, v25;
	v45 =	vadd.f32 v28, v9  }
0xee: {  	v46 =	vadd.f32 v31, v9;
	[tilespmem:v29+s20+$0x0] =	vst.idx.msk $0xffff, v23  }
0xef: {  	v47 =	vadd.f32 v32, v9;
	v48 =	vld [tilespmem:s26+$0x50];
	[tilespmem:v33+s20+$0x0] =	vst.idx.msk $0xffff, v45  }
0xf0: {  	v17 =	vadd.f32 v17, v6;
	v12 =	vadd.s32 v3, v12;
	[tilespmem:v34+s20+$0x0] =	vst.idx.msk $0xffff, v46;
	v21 =	vld [tilespmem:s26+$0xFFFFFFD0]  }
0xf1: {  	v16 =	vadd.f32 v16, v4;
	v49 =	vadd.s32 v1, v26;
	[tilespmem:v44+s20+$0x0] =	vst.idx.msk $0xffff, v47;
	v50 =	vld [tilespmem:s26+$0x10]  }
0xf2: {  	[tilespmem:v14+s20+$0x0] =	vst.idx.msk $0xffff, v17;
	v51 =	vadd.f32 v15, v4;
	v53 =	vadd.s32 v1, v27;
	v52 =	vld [tilespmem:s26+$0xFFFFFF90]  }
0xf3: {  	v54 =	vld [tilespmem:s25+$0x60];
	v18 =	vadd.f32 v18, v4;
	[tilespmem:v19+s20+$0x0] =	vst.idx.msk $0xffff, v16;
	v55 =	vadd.s32 v1, v30  }
0xf4: {  	v57 =	vadd.s32 v1, v13;
	v60 =	vld [tilespmem:s25+$0x20];
	[tilespmem:v20+s20+$0x0] =	vst.idx.msk $0xffff, v51;
	v58 =	vadd.f32 v48, v6  }
0xf5: {  	v59 =	vadd.s32 v2, v7;
	v56 =	vld [tilespmem:s25+$0xFFFFFFE0];
	[tilespmem:v12+s20+$0x0] =	vst.idx.msk $0xffff, v18;
	v61 =	vadd.f32 v21, v6  }
0xf6: {  	v62 =	vld [tilespmem:s25+$0xFFFFFFA0];
	v29 =	vadd.s32 v2, v11;
	[tilespmem:v49+s20+$0x0] =	vst.idx.msk $0xffff, v58;
	v28 =	vadd.f32 v50, v6  }
0xf7: {  	v63 =	vadd.s32 v2, v10;
	v31 =	vadd.f32 v52, v6;
	v32 =	vld [tilespmem:s26+$0x60];
	[tilespmem:v53+s20+$0x0] =	vst.idx.msk $0xffff, v61  }
0xf8: {  	v33 =	vadd.f32 v54, v5;
	v34 =	vadd.s32 v2, v8;
	[tilespmem:v55+s20+$0x0] =	vst.idx.msk $0xffff, v28;
	v35 =	vld [tilespmem:s26+$0xFFFFFFE0]  }
0xf9: {  	v37 =	vadd.s32 v2, v26;
	v39 =	vadd.f32 v60, v5;
	[tilespmem:v57+s20+$0x0] =	vst.idx.msk $0xffff, v31;
	v38 =	vld [tilespmem:s26+$0x20]  }
0xfa: {  	v41 =	vadd.s32 v2, v27;
	v36 =	vadd.f32 v56, v5;
	[tilespmem:v59+s20+$0x0] =	vst.idx.msk $0xffff, v33;
	v40 =	vld [tilespmem:s26+$0xFFFFFFA0]  }
0xfb: {  	v43 =	vadd.s32 v2, v30;
	v18 =	vadd.f32 v62, v5;
	v42 =	vld [tilespmem:s25+$0x70];
	[tilespmem:v29+s20+$0x0] =	vst.idx.msk $0xffff, v39  }
0xfc: {  	v45 =	vadd.s32 v2, v13;
	[tilespmem:v63+s20+$0x0] =	vst.idx.msk $0xffff, v36;
	v47 =	vld [tilespmem:s25+$0x30];
	v44 =	vadd.f32 v32, v5  }
0xfd: {  	v46 =	vadd.s32 v3, v7;
	[tilespmem:v34+s20+$0x0] =	vst.idx.msk $0xffff, v18;
	v21 =	vld [tilespmem:s25+$0xFFFFFFF0];
	v9 =	vadd.f32 v35, v5  }
0xfe: {  	v18 =	vld [tilespmem:s25+$0xFFFFFFB0];
	v50 =	vadd.s32 v3, v11;
	[tilespmem:v37+s20+$0x0] =	vst.idx.msk $0xffff, v44;
	v49 =	vadd.f32 v38, v5  }
0xff: {  	v48 =	vadd.s32 v3, v10;
	v5 =	vadd.f32 v40, v5;
	v12 =	vld [tilespmem:s26+$0x70];
	[tilespmem:v41+s20+$0x0] =	vst.idx.msk $0xffff, v9  }
0x100: {  	v52 =	vadd.s32 v3, v8;
	v51 =	vadd.f32 v42, v4;
	[tilespmem:v43+s20+$0x0] =	vst.idx.msk $0xffff, v49;
	v53 =	vld [tilespmem:s26+$0xFFFFFFF0]  }
0x101: {  	v55 =	vadd.s32 v3, v26;
	v56 =	vadd.f32 v47, v4;
	[tilespmem:v45+s20+$0x0] =	vst.idx.msk $0xffff, v5;
	v5 =	vld [tilespmem:s26+$0x30]  }
0x102: {  	v58 =	vadd.s32 v3, v27;
	[tilespmem:v46+s20+$0x0] =	vst.idx.msk $0xffff, v51;
	v54 =	vadd.f32 v21, v4;
	v57 =	vld [tilespmem:s26+$0xFFFFFFB0]  }
0x103: {  	v60 =	vadd.s32 v3, v30;
	v59 =	vadd.f32 v18, v4;
	[tilespmem:v50+s20+$0x0] =	vst.idx.msk $0xffff, v56  }
0x104: {  	v62 =	vadd.s32 v3, v13;
	[tilespmem:v48+s20+$0x0] =	vst.idx.msk $0xffff, v54;
	v61 =	vadd.f32 v12, v4  }
0x105: {  	[tilespmem:v52+s20+$0x0] =	vst.idx.msk $0xffff, v59;
	v63 =	vadd.f32 v53, v4  }
0x106: {  	s30 =	sshll.u32 s24, $0x12;
	[tilespmem:v55+s20+$0x0] =	vst.idx.msk $0xffff, v61;
	v5 =	vadd.f32 v5, v4  }
0x107: {  	s0 =	sor.u32 s4, s30;
	v4 =	vadd.f32 v57, v4;
	[tilespmem:v58+s20+$0x0] =	vst.idx.msk $0xffff, v63  }
0x108: {  	s0 =	sshrl.u32 s0, $0x3;
	[tilespmem:v60+s20+$0x0] =	vst.idx.msk $0xffff, v5  }
0x109: {  	s31 =	simm.s32 $0xF800;
	s0 =	sadd.s32 s2, s0;
	[tilespmem:v62+s20+$0x0] =	vst.idx.msk $0xffff, v4  }
0x10a: {  	[hbm4b:s0+s3] =	stream.linear.scatter [tilespmem:s31], [sflag:$0x4], $0x80, $0x38;
	[tilespmem:$0x11A00] =	vst v63  }
0x10b: {  	s25 =	simm.s32 $0xF888;
	s26 =	sadd.s32 $0x10, s0  }
0x10c: {  	[hbm4b:s26+s3] =	stream.linear.scatter [tilespmem:s25], [sflag:$0x4], $0x80, $0x38;
	[tilespmem:$0x11A00] =	vst v63  }
0x10d: {  	s24 =	simm.s32 $0x440;
	s30 =	simm.s32 $0xF910;
	s31 =	sadd.s32 $0x20, s0  }
0x10e: {  	[hbm4b:s31+s3] =	stream.linear.scatter [tilespmem:s30], [sflag:$0x4], $0x80, $0x38;
	[tilespmem:$0x11A00] =	vst v63  }
0x10f: {  	s28 =	simm.s32 $0xFBB8;
	s25 =	simm.s32 $0xF998;
	s26 =	sadd.s32 $0x30, s0  }
0x110: {  	[hbm4b:s26+s3] =	stream.linear.scatter [tilespmem:s25], [sflag:$0x4], $0x80, $0x38;
	[tilespmem:$0x11A00] =	vst v63  }
0x111: {  	s29 =	sadd.s32 $0x70, s0;
	s30 =	simm.s32 $0xFA20;
	s31 =	sadd.s32 $0x40, s0  }
0x112: {  	[hbm4b:s31+s3] =	stream.linear.scatter [tilespmem:s30], [sflag:$0x4], $0x80, $0x38;
	[tilespmem:$0x11A00] =	vst v63  }
0x113: {  	s25 =	simm.s32 $0xFAA8;
	s26 =	sadd.s32 $0x50, s0;
	s30 =	simm.s32 $0xFB30  }
0x114: {  	[hbm4b:s26+s3] =	stream.linear.scatter [tilespmem:s25], [sflag:$0x4], $0x80, $0x38;
	[tilespmem:$0x11A00] =	vst v63  }
0x115: {  	s31 =	sadd.s32 $0x60, s0;
	s26 =	simm.s32 $0x2200;
	s25 =	sadd.s32 $0x1000, s0  }
0x116: {  	[hbm4b:s31+s3] =	stream.linear.scatter [tilespmem:s30], [sflag:$0x4], $0x80, $0x38;
	[tilespmem:$0x11A00] =	vst v63  }
.LBB2_13:
0x117: {  	[hbm4b:s29+s3] =	stream.linear.scatter [tilespmem:s28], [sflag:$0x4], $0x80, $0x38;
	[tilespmem:$0x11A00] =	vst v63  }
0x118: {  	s0 =	smov.u32 s24;
	s24 =	smov.u32 s26  }
0x119: {  	s30 =	sadd.s32 $0x1100, s26;
	s24 =	sshra.s32 s24, $0x2;
	s28 =	sadd.s32 $0xF800, s0  }
0x11a: {  	[hbm4b:s25+s3] =	stream.linear.scatter [tilespmem:s28], [sflag:$0x4], $0x80, $0x38;
	[tilespmem:$0x11A00] =	vst v63  }
0x11b: {  	p0 =	sne.s32 s26, $0x7700;
	s26 =	sadd.s32 $0xF888, s0;
	s28 =	sadd.s32 $0x10, s25  }
0x11c: {  	[hbm4b:s28+s3] =	stream.linear.scatter [tilespmem:s26], [sflag:$0x4], $0x80, $0x38;
	[tilespmem:$0x11A00] =	vst v63  }
0x11d: {  	s26 =	sadd.s32 $0xF910, s0;
	s28 =	sadd.s32 $0x20, s25  }
0x11e: {  	[hbm4b:s28+s3] =	stream.linear.scatter [tilespmem:s26], [sflag:$0x4], $0x80, $0x38;
	[tilespmem:$0x11A00] =	vst v63  }
0x11f: {  	s26 =	sadd.s32 $0xF998, s0;
	s28 =	sadd.s32 $0x30, s25  }
0x120: {  	[hbm4b:s28+s3] =	stream.linear.scatter [tilespmem:s26], [sflag:$0x4], $0x80, $0x38;
	[tilespmem:$0x11A00] =	vst v63  }
0x121: {  	s26 =	sadd.s32 $0xFA20, s0;
	s28 =	sadd.s32 $0x40, s25  }
0x122: {  	[hbm4b:s28+s3] =	stream.linear.scatter [tilespmem:s26], [sflag:$0x4], $0x80, $0x38;
	[tilespmem:$0x11A00] =	vst v63  }
.Ltmp6:
0x123: {  	s26 =	sadd.s32 $0xFAA8, s0;
	s28 =	sadd.s32 $0x50, s25;
	(pc) =	sbr.rel @p0 .LBB2_13-.Ltmp6, $4  }
0x124: {  	[hbm4b:s28+s3] =	stream.linear.scatter [tilespmem:s26], [sflag:$0x4], $0x80, $0x38;
	[tilespmem:$0x11A00] =	vst v63  }
0x125: {  	s29 =	sadd.s32 $0x70, s25;
	s26 =	sadd.s32 $0xFB30, s0;
	s28 =	sadd.s32 $0x60, s25  }
0x126: {  	[hbm4b:s28+s3] =	stream.linear.scatter [tilespmem:s26], [sflag:$0x4], $0x80, $0x38;
	[tilespmem:$0x11A00] =	vst v63  }
0x127: {  	s25 =	sadd.s32 $0x1000, s25;
	s28 =	sadd.s32 $0xFBB8, s0;
	s26 =	smov.u32 s30  }
0x128: {  	[hbm4b:s29+s3] =	stream.linear.scatter [tilespmem:s28], [sflag:$0x4], $0x80, $0x38;
	[tilespmem:$0x11A00] =	vst v63  }
0x129: {  	s0 =	sadd.s32 $0xF800, s24  }
0x12a: {  	[hbm4b:s25+s3] =	stream.linear.scatter [tilespmem:s0], [sflag:$0x4], $0x80, $0x38;
	[tilespmem:$0x11A00] =	vst v63  }
0x12b: {  	s31 =	sadd.s32 $0xF888, s24;
	s26 =	sadd.s32 $0x10, s25  }
0x12c: {  	[hbm4b:s26+s3] =	stream.linear.scatter [tilespmem:s31], [sflag:$0x4], $0x80, $0x38;
	[tilespmem:$0x11A00] =	vst v63  }
0x12d: {  	s28 =	sadd.s32 $0xF910, s24;
	s29 =	sadd.s32 $0x20, s25  }
0x12e: {  	[hbm4b:s29+s3] =	stream.linear.scatter [tilespmem:s28], [sflag:$0x4], $0x80, $0x38;
	[tilespmem:$0x11A00] =	vst v63  }
0x12f: {  	s30 =	sadd.s32 $0xF998, s24;
	s31 =	sadd.s32 $0x30, s25  }
0x130: {  	[hbm4b:s31+s3] =	stream.linear.scatter [tilespmem:s30], [sflag:$0x4], $0x80, $0x38;
	[tilespmem:$0x11A00] =	vst v63  }
0x131: {  	s23 =	sadd.s32 $0x1, s23;
	s28 =	sadd.s32 $0xFA20, s24;
	s29 =	sadd.s32 $0x40, s25  }
0x132: {  	[hbm4b:s29+s3] =	stream.linear.scatter [tilespmem:s28], [sflag:$0x4], $0x80, $0x38;
	[tilespmem:$0x11A00] =	vst v63  }
0x133: {  	p0 =	sne.s32 s23, $0x64;
	s30 =	sadd.s32 $0xFAA8, s24;
	s31 =	sadd.s32 $0x50, s25  }
0x134: {  	[hbm4b:s31+s3] =	stream.linear.scatter [tilespmem:s30], [sflag:$0x4], $0x80, $0x38;
	[tilespmem:$0x11A00] =	vst v63  }
.Ltmp7:
0x135: {  	_ = 	snop;
	(pc) =	sbr.rel @p0 .LBB2_2-.Ltmp7, $4  }
0x136: {  	s28 =	sadd.s32 $0xFB30, s24;
	s29 =	sadd.s32 $0x60, s25  }
0x137: {  	[hbm4b:s29+s3] =	stream.linear.scatter [tilespmem:s28], [sflag:$0x4], $0x80, $0x38;
	[tilespmem:$0x11A00] =	vst v63  }
0x138: {  	s30 =	sadd.s32 $0xFBB8, s24;
	s31 =	sadd.s32 $0x70, s25  }
0x139: {  	[hbm4b:s31+s3] =	stream.linear.scatter [tilespmem:s30], [sflag:$0x4], $0x80, $0x38;
	[tilespmem:$0x11A00] =	vst v63  }
0x13a: {  	s22 =	sadd.s32 $0x1, s22  }
0x13b: {  	_ =	swait.ge [sflag:s21], $0x2000;
	p0 =	sne.s32 s22, s8  }
.Ltmp8:
0x13c: {  	[sflag:s21] =	ssyncset.done $0x0;
	(pc) =	sbr.rel @p0 .LBB2_1-.Ltmp8, $4  }
0x13d: {  	[sflag:s21] =	ssyncadd.s32 $0xFFFFE000  }
0x13e: {  	_ =	swait.ge [sflag:s19], $0x2000  }
0x13f: {  	[sflag:s19] =	ssyncset.done $0x0  }
0x140: {  	[sflag:s19] =	ssyncadd.s32 $0xFFFFE000  }
0x141: {  	_ =	sfence.sel $0x180000  }
0x142: {  	[bflag:$0x0] =	sbarrier.arrive $0xFFFF  }
0x143: {  	_ =	strace $0x90000047  }
0x144: {  	[bflag:$0x2] =	sbarrier.arrive $0xFFFF  }
0x145: {  	p0 =	sne.s32 s1, $0x0;
	s0 =	rddreg [dreg:$0x3]  }
0x146: {  	s0 =	sadd.s32 @!p0 $0x100000, s0  }
0x147: {  	[sflag:s0] =	ssyncadd.tile.s32 @!p0 $0x1;
	_ =	shalt  }
.Lfunc_end2:
_tile_overlayer_lowered:
.L_overlay_start_2:
0x148: {  	(tag) =	ssettag $0x2  }
0x149: {  	s0 =	rddreg [dreg:$0x0];
	s2 =	stileid.u32  }
0x14a: {  	s1 =	rddreg [dreg:$0x1];
	p0 =	sne.s32 s2, $0x0  }
0x14b: {  	s3 =	rddreg [dreg:$0x2];
	[bflag:$0x3] =	sbarrier.arrive $0xFFFF;
	s2 =	simm.s32 @!p0 $0x1C05  }
0x14c: {  	[timem:s3], [sflag:s2] =	dma.local @!p0 [hbm:s0], s1  }
0x14d: {  	s0 =	simm.s32 @!p0 $0x5  }
0x14e: {  	_ =	swait.ge @!p0 [sflag:s0], s1  }
0x14f: {  	s1 =	ssub.s32 @!p0 $0x0, s1;
	[sflag:s0] =	ssyncset.done @!p0 $0x0  }
0x150: {  	[sflag:s0] =	ssyncadd.s32 @!p0 s1  }
0x151: {  	[bflag:$0x3] =	sbarrier.arrive $0xFFFF  }
0x152: {  	_ =	shalt  }

</sc_bundles>
